<compile_context>
chip_gen: v7x
topology: tpu7x:2x2x1
jax: 0.10.2.dev20260603
libtpu: 0.0.44.dev20260713+nightly
codegen_flags: <defaults>
</compile_context>

<pallas_src>
import functools

import jax
import jax.numpy as jnp
from jax import lax
from jax.experimental import pallas as pl
from jax.experimental.pallas import tpu as pltpu
from jax.experimental.pallas import tpu_sc as plsc


def _sim_body(state_ref, rp_ref, mem_ref, max_ref, idx_ref, fit_ref, *,
              nb, heads, inv_b):
    i = pl.program_id(0)
    proj = lax.dot_general(
        state_ref[...], rp_ref[...], (((1,), (0,)), ((), ())),
        preferred_element_type=jnp.float32,
        precision=lax.Precision.DEFAULT)
    sims = lax.dot_general(
        mem_ref[...], proj, (((1,), (1,)), ((), ())),
        preferred_element_type=jnp.float32,
        precision=lax.Precision.DEFAULT)
    slots = 64
    bt = sims.shape[1]
    ngrp = heads // slots
    sims_r = sims.reshape(ngrp, slots, bt)
    vm = sims_r[0]
    vg = jnp.zeros((slots, bt), jnp.int32)
    for g in range(1, ngrp):
        c = sims_r[g]
        gt = c > vm
        vm = jnp.where(gt, c, vm)
        vg = jnp.where(gt, g, vg)
    vh = vg * slots + lax.broadcasted_iota(jnp.int32, (slots, bt), 0)
    m = jnp.max(vm, axis=0, keepdims=True)
    idx = jnp.min(jnp.where(vm == m, vh, heads), axis=0,
                  keepdims=True)
    max_ref[...] = m
    idx_ref[...] = idx

    @pl.when(i == 0)
    def _():
        fit_ref[...] = jnp.zeros_like(fit_ref)

    fit_ref[...] += jnp.sum(m, axis=1, keepdims=True)

    @pl.when(i == nb - 1)
    def _():
        fit_ref[...] = fit_ref[...] * inv_b


@functools.lru_cache(maxsize=None)
def _make_gather(v, d, b):
    info = plsc.get_sparse_core_info()
    nc, ns = info.num_cores, info.num_subcores
    nw = nc * ns
    assert b % (8 * nw) == 0 and d % info.num_lanes == 0
    b_per_w = b // nw
    mesh = plsc.VectorSubcoreMesh(core_axis_name="c", subcore_axis_name="s")

    @functools.partial(
        pl.kernel, mesh=mesh,
        compiler_params=pltpu.CompilerParams(use_tc_tiling_on_sc=False,
                                             skip_device_barrier=True),
        out_type=jax.ShapeDtypeStruct((b, d), jnp.float32),
        scratch_types=[
            pltpu.VMEM((b_per_w,), jnp.int32),
            pltpu.VMEM((b_per_w, d), jnp.float32),
            pltpu.SemaphoreType.DMA,
        ],
    )
    def gather(table_hbm, idx_hbm, out_hbm, idx_v, rows_v, sem):
        wid = lax.axis_index("s") * nc + lax.axis_index("c")
        base = wid * b_per_w
        pltpu.sync_copy(idx_hbm.at[pl.ds(base, b_per_w)], idx_v)
        pltpu.async_copy(table_hbm.at[idx_v], rows_v, sem).wait()
        pltpu.sync_copy(rows_v, out_hbm.at[pl.ds(base, b_per_w)])

    return gather


def kernel(state, random_projection, memories, logits_table):
    b, in_dim = state.shape
    proj_dim = random_projection.shape[1]
    heads = memories.shape[0]
    bt = 1024
    nb = b // bt

    maxs, idx, fit = pl.pallas_call(
        functools.partial(_sim_body, nb=nb, heads=heads, inv_b=1.0 / b),
        grid=(nb,),
        in_specs=[
            pl.BlockSpec((bt, in_dim), lambda i: (i, 0)),
            pl.BlockSpec((in_dim, proj_dim), lambda i: (0, 0)),
            pl.BlockSpec((heads, proj_dim), lambda i: (0, 0)),
        ],
        out_specs=[
            pl.BlockSpec((1, bt), lambda i: (0, i)),
            pl.BlockSpec((1, bt), lambda i: (0, i)),
            pl.BlockSpec((1, 1), lambda i: (0, 0)),
        ],
        out_shape=[
            jax.ShapeDtypeStruct((1, b), jnp.float32),
            jax.ShapeDtypeStruct((1, b), jnp.int32),
            jax.ShapeDtypeStruct((1, 1), jnp.float32),
        ],
    )(state, random_projection, memories)

    closest = idx.reshape(b)
    out_logits = _make_gather(heads, logits_table.shape[1], b)(
        logits_table, closest)
    return out_logits, fit[0, 0]

# --- scband reference (transcript-rebuilt; emitter-appended) ---
"""Pipeline reference for scband-memorization-module-83528523972866 (READ-ONLY COPY).

The authoritative reference and input builder live on the scoring server;
editing this copy changes nothing except your own understanding.
"""

import jax, jax.numpy as jnp
import numpy as np


def setup_inputs(seed: int = 0) -> dict:
    key = jax.random.key(seed)
    ks = jax.random.split(key, 4)
    B, IN_DIM, PROJ_DIM, HEADS, ACT_DIM = 4096, 512, 128, 8192, 64
    SIGMA = 0.002
    state = jax.random.normal(ks[0], (B, IN_DIM), dtype=jnp.float32)
    # random_projection ~ N(0,1), size [flattened_input_dim, proj_dim]
    random_projection = jax.random.normal(ks[1], (IN_DIM, PROJ_DIM), dtype=jnp.float32)
    # memories built by mutation updates: sigma * N(0, 1/sqrt(d)) then L2-normalized per head
    memories = SIGMA * jax.random.normal(ks[2], (HEADS, PROJ_DIM), dtype=jnp.float32) / (PROJ_DIM ** 0.5)
    norms = jnp.maximum(jnp.linalg.norm(memories, axis=1, keepdims=True), 1e-12)
    memories = memories / norms
    # per-head logits: sigma * N(0,1)
    logits_table = SIGMA * jax.random.normal(ks[3], (HEADS, ACT_DIM), dtype=jnp.float32)
    return {
        "state": state,
        "random_projection": random_projection,
        "memories": memories,
        "logits_table": logits_table,
    }


def reference(state, random_projection, memories, logits_table):
    # __call__ with proj_dim set:
    # state = state.view([B, -1]) @ random_projection
    s = state.reshape(state.shape[0], -1)
    proj = s @ random_projection  # [B, proj_dim]
    # similarities = sum(state[:,None] * memories[None,:], dim=-1)  == proj @ memories.T
    similarities = jnp.einsum("bd,kd->bk", proj, memories)  # [B, heads]
    max_similarities = jnp.max(similarities, axis=1)
    closest_memories = jnp.argmax(similarities, axis=1)
    intrinsic_fitness = jnp.mean(max_similarities)
    out_logits = jnp.take(logits_table, closest_memories, axis=0)  # gather [B, act_dim]
    return (out_logits, intrinsic_fitness)

if __name__ == "__main__":
    import jax
    _d = setup_inputs()
    print(jax.jit(kernel)(*tuple(_d.values())))

</pallas_src>

<mosaic_0001>
#map = affine_map<(d0, d1) -> (0, 0)>
#map1 = affine_map<(d0, d1) -> (0)>
module attributes {stable_mosaic.version = 14 : i64} {
  func.func @gather(%arg0: i32, %arg1: i32, %arg2: memref<8192x64xf32, #tpu.memory_space<hbm>>, %arg3: memref<4096xi32, #tpu.memory_space<hbm>>, %arg4: memref<4096x64xf32, #tpu.memory_space<hbm>>, %arg5: memref<128xi32, #tpu.memory_space<vmem>>, %arg6: memref<128x64xf32, #tpu.memory_space<vmem>>, %arg7: memref<!tpu.dma_semaphore, #tpu.memory_space<semaphore_mem>>) attributes {dimension_semantics = [#tpu.dimension_semantics<core_parallel>, #tpu.dimension_semantics<subcore_parallel>], iteration_bounds = array<i64: 2, 16>, scalar_prefetch = 0 : i64, scratch_operands = 3 : i64, tpu.core_type = #tpu.core_type<sc_vector_subcore>, window_params = [{transform_indices = #map}, {transform_indices = #map1}, {transform_indices = #map}]} {
    %mul3A = arith.constant 2 : i32
    %mul3A_0 = arith.muli %arg1, %mul3A : i32
    %add3A = arith.addi %mul3A_0, %arg0 : i32
    %mul3A_1 = arith.constant 128 : i32
    %mul3A_2 = arith.muli %add3A, %mul3A_1 : i32
    "tpu.region"() ({
      %run_scoped3A = tpu.sem_alloc : memref<!tpu.dma_semaphore, #tpu.memory_space<semaphore_mem>>
      %dma_start3A_7 = tpu.memref_slice %arg3[%mul3A_2] : memref<4096xi32, #tpu.memory_space<hbm>> -> memref<128xi32, #tpu.memory_space<hbm>>
      %dma_start3A_8 = tpu.memref_slice %arg3[%mul3A_2] : memref<4096xi32, #tpu.memory_space<hbm>> -> memref<128xi32, #tpu.memory_space<hbm>>
      tpu.enqueue_dma source(%dma_start3A_8 : memref<128xi32, #tpu.memory_space<hbm>>) target(%arg5 : memref<128xi32, #tpu.memory_space<vmem>>) target_semaphore(%run_scoped3A : memref<!tpu.dma_semaphore, #tpu.memory_space<semaphore_mem>>)
      %dma_wait3A_9 = tpu.memref_slice %arg3[%mul3A_2] : memref<4096xi32, #tpu.memory_space<hbm>> -> memref<128xi32, #tpu.memory_space<hbm>>
      %dma_wait3A_10 = tpu.memref_slice %arg3[%mul3A_2] : memref<4096xi32, #tpu.memory_space<hbm>> -> memref<128xi32, #tpu.memory_space<hbm>>
      tpu.wait_dma2 semaphore(%run_scoped3A : memref<!tpu.dma_semaphore, #tpu.memory_space<semaphore_mem>>) src(%dma_wait3A_10 : memref<128xi32, #tpu.memory_space<hbm>>) dst(%arg5 : memref<128xi32, #tpu.memory_space<vmem>>)
      tpu.yield
    }) : () -> ()
    %dma_start3A = arith.constant 0 : i32
    %dma_start3A_3 = arith.constant 0 : i32
    %dma_start3A_4 = tpu.memref_slice %arg2[%dma_start3A, %dma_start3A_3] : memref<8192x64xf32, #tpu.memory_space<hbm>> -> memref<8192x64xf32, #tpu.memory_space<hbm>>
    tpu.enqueue_indirect_dma source(%dma_start3A_4 : memref<8192x64xf32, #tpu.memory_space<hbm>>) target(%arg6 : memref<128x64xf32, #tpu.memory_space<vmem>>) offsets(%arg5 : memref<128xi32, #tpu.memory_space<vmem>>) semaphore(%arg7 : memref<!tpu.dma_semaphore, #tpu.memory_space<semaphore_mem>>)
    %dma_wait3A = arith.constant 0 : i32
    %dma_wait3A_5 = arith.constant 0 : i32
    %dma_wait3A_6 = tpu.memref_slice %arg2[%dma_wait3A, %dma_wait3A_5] : memref<8192x64xf32, #tpu.memory_space<hbm>> -> memref<8192x64xf32, #tpu.memory_space<hbm>>
    tpu.wait_indirect_dma semaphore(%arg7 : memref<!tpu.dma_semaphore, #tpu.memory_space<semaphore_mem>>) src(%dma_wait3A_6 : memref<8192x64xf32, #tpu.memory_space<hbm>>) dst(%arg6 : memref<128x64xf32, #tpu.memory_space<vmem>>)
    "tpu.region"() ({
      %run_scoped3A = tpu.sem_alloc : memref<!tpu.dma_semaphore, #tpu.memory_space<semaphore_mem>>
      %dma_start3A_7 = arith.constant 0 : i32
      %dma_start3A_8 = tpu.memref_slice %arg4[%mul3A_2, %dma_start3A_7] : memref<4096x64xf32, #tpu.memory_space<hbm>> -> memref<128x64xf32, #tpu.memory_space<hbm>>
      %dma_start3A_9 = arith.constant 0 : i32
      %dma_start3A_10 = tpu.memref_slice %arg4[%mul3A_2, %dma_start3A_9] : memref<4096x64xf32, #tpu.memory_space<hbm>> -> memref<128x64xf32, #tpu.memory_space<hbm>>
      tpu.enqueue_dma source(%arg6 : memref<128x64xf32, #tpu.memory_space<vmem>>) target(%dma_start3A_10 : memref<128x64xf32, #tpu.memory_space<hbm>>) target_semaphore(%run_scoped3A : memref<!tpu.dma_semaphore, #tpu.memory_space<semaphore_mem>>)
      %dma_wait3A_11 = arith.constant 0 : i32
      %dma_wait3A_12 = tpu.memref_slice %arg4[%mul3A_2, %dma_wait3A_11] : memref<4096x64xf32, #tpu.memory_space<hbm>> -> memref<128x64xf32, #tpu.memory_space<hbm>>
      %dma_wait3A_13 = arith.constant 0 : i32
      %dma_wait3A_14 = tpu.memref_slice %arg4[%mul3A_2, %dma_wait3A_13] : memref<4096x64xf32, #tpu.memory_space<hbm>> -> memref<128x64xf32, #tpu.memory_space<hbm>>
      tpu.wait_dma2 semaphore(%run_scoped3A : memref<!tpu.dma_semaphore, #tpu.memory_space<semaphore_mem>>) src(%arg6 : memref<128x64xf32, #tpu.memory_space<vmem>>) dst(%dma_wait3A_14 : memref<128x64xf32, #tpu.memory_space<hbm>>)
      tpu.yield
    }) : () -> ()
    return
  }
}

module attributes {stable_mosaic.version = 14 : i64} {
  func.func @_sim_body(%arg0: i32, %arg1: memref<1024x512xf32, #tpu.memory_space<vmem>>, %arg2: memref<512x128xf32, #tpu.memory_space<vmem>>, %arg3: memref<8192x128xf32, #tpu.memory_space<vmem>>, %arg4: memref<1x1024xf32, #tpu.memory_space<vmem>>, %arg5: memref<1x1024xi32, #tpu.memory_space<vmem>>, %arg6: memref<1x1xf32, #tpu.memory_space<vmem>>) attributes {dimension_semantics = [#tpu.dimension_semantics<arbitrary>], iteration_bounds = array<i64: 4>, scalar_prefetch = 0 : i64, scratch_operands = 0 : i64, tpu.core_type = #tpu.core_type<tc>, window_params = [{transform_indices = @transform_0, window_bounds = array<i64: 1024, 512>}, {pipeline_mode = #tpu.pipeline_mode<synchronous>, transform_indices = @transform_1, window_bounds = array<i64: 512, 128>}, {pipeline_mode = #tpu.pipeline_mode<synchronous>, transform_indices = @transform_2, window_bounds = array<i64: 8192, 128>}, {transform_indices = @transform_3, window_bounds = array<i64: 1, 1024>}, {transform_indices = @transform_4, window_bounds = array<i64: 1, 1024>}, {pipeline_mode = #tpu.pipeline_mode<synchronous>, transform_indices = @transform_5, window_bounds = array<i64: 1, 1>}]} {
    %get3A = arith.constant 0 : index
    %get3A_0 = arith.constant 0 : index
    %get3A_1 = vector.load %arg1[%get3A, %get3A_0] : memref<1024x512xf32, #tpu.memory_space<vmem>>, vector<1024x512xf32>
    %get3A_2 = arith.constant 0 : index
    %get3A_3 = arith.constant 0 : index
    %get3A_4 = vector.load %arg2[%get3A_2, %get3A_3] : memref<512x128xf32, #tpu.memory_space<vmem>>, vector<512x128xf32>
    %dot_general3A = arith.constant dense<0.000000e+00> : vector<1024x128xf32>
    %dot_general3A_5 = tpu.matmul %get3A_1, %get3A_4, %dot_general3A {dimension_numbers = #tpu.dot_dimension_numbers<[1], [0], [0], [1], [0, 0, 1, 1], [], []>, transpose_lhs_hint = false} : vector<1024x512xf32>, vector<512x128xf32>, vector<1024x128xf32> -> vector<1024x128xf32>
    %get3A_6 = arith.constant 0 : index
    %get3A_7 = arith.constant 0 : index
    %get3A_8 = vector.load %arg3[%get3A_6, %get3A_7] : memref<8192x128xf32, #tpu.memory_space<vmem>>, vector<8192x128xf32>
    %dot_general3A_9 = arith.constant dense<0.000000e+00> : vector<8192x1024xf32>
    %dot_general3A_10 = tpu.matmul %get3A_8, %dot_general3A_5, %dot_general3A_9 {dimension_numbers = #tpu.dot_dimension_numbers<[1], [1], [0], [0], [0, 0, 1, 0], [], []>, transpose_lhs_hint = false} : vector<8192x128xf32>, vector<1024x128xf32>, vector<8192x1024xf32> -> vector<8192x1024xf32>
    %reshape3A = vector.shape_cast %dot_general3A_10 : vector<8192x1024xf32> to vector<128x64x1024xf32>
    %slice3A = vector.extract_strided_slice %reshape3A {offsets = [0, 0, 0], sizes = [1, 64, 1024], strides = [1, 1, 1]} : vector<128x64x1024xf32> to vector<1x64x1024xf32>
    %squeeze3A = vector.shape_cast %slice3A : vector<1x64x1024xf32> to vector<64x1024xf32>
    %broadcast_in_dim3A = arith.constant 0 : i32
    %broadcast_in_dim3A_11 = vector.broadcast %broadcast_in_dim3A : i32 to vector<64x1024xi32>
    %slice3A_12 = vector.extract_strided_slice %reshape3A {offsets = [1, 0, 0], sizes = [1, 64, 1024], strides = [1, 1, 1]} : vector<128x64x1024xf32> to vector<1x64x1024xf32>
    %squeeze3A_13 = vector.shape_cast %slice3A_12 : vector<1x64x1024xf32> to vector<64x1024xf32>
    %gt3A = arith.cmpf ogt, %squeeze3A_13, %squeeze3A : vector<64x1024xf32>
    %select_n3A = arith.select %gt3A, %squeeze3A_13, %squeeze3A : vector<64x1024xi1>, vector<64x1024xf32>
    %jit3A = arith.constant 1 : i32
    %broadcast_in_dim3A_14 = vector.broadcast %jit3A : i32 to vector<64x1024xi32>
    %select_n3A_15 = arith.select %gt3A, %broadcast_in_dim3A_14, %broadcast_in_dim3A_11 : vector<64x1024xi1>, vector<64x1024xi32>
    %slice3A_16 = vector.extract_strided_slice %reshape3A {offsets = [2, 0, 0], sizes = [1, 64, 1024], strides = [1, 1, 1]} : vector<128x64x1024xf32> to vector<1x64x1024xf32>
    %squeeze3A_17 = vector.shape_cast %slice3A_16 : vector<1x64x1024xf32> to vector<64x1024xf32>
    %gt3A_18 = arith.cmpf ogt, %squeeze3A_17, %select_n3A : vector<64x1024xf32>
    %select_n3A_19 = arith.select %gt3A_18, %squeeze3A_17, %select_n3A : vector<64x1024xi1>, vector<64x1024xf32>
    %jit3A_20 = arith.constant 2 : i32
    %broadcast_in_dim3A_21 = vector.broadcast %jit3A_20 : i32 to vector<64x1024xi32>
    %select_n3A_22 = arith.select %gt3A_18, %broadcast_in_dim3A_21, %select_n3A_15 : vector<64x1024xi1>, vector<64x1024xi32>
    %slice3A_23 = vector.extract_strided_slice %reshape3A {offsets = [3, 0, 0], sizes = [1, 64, 1024], strides = [1, 1, 1]} : vector<128x64x1024xf32> to vector<1x64x1024xf32>
    %squeeze3A_24 = vector.shape_cast %slice3A_23 : vector<1x64x1024xf32> to vector<64x1024xf32>
    %gt3A_25 = arith.cmpf ogt, %squeeze3A_24, %select_n3A_19 : vector<64x1024xf32>
    %select_n3A_26 = arith.select %gt3A_25, %squeeze3A_24, %select_n3A_19 : vector<64x1024xi1>, vector<64x1024xf32>
    %jit3A_27 = arith.constant 3 : i32
    %broadcast_in_dim3A_28 = vector.broadcast %jit3A_27 : i32 to vector<64x1024xi32>
    %select_n3A_29 = arith.select %gt3A_25, %broadcast_in_dim3A_28, %select_n3A_22 : vector<64x1024xi1>, vector<64x1024xi32>
    %slice3A_30 = vector.extract_strided_slice %reshape3A {offsets = [4, 0, 0], sizes = [1, 64, 1024], strides = [1, 1, 1]} : vector<128x64x1024xf32> to vector<1x64x1024xf32>
    %squeeze3A_31 = vector.shape_cast %slice3A_30 : vector<1x64x1024xf32> to vector<64x1024xf32>
    %gt3A_32 = arith.cmpf ogt, %squeeze3A_31, %select_n3A_26 : vector<64x1024xf32>
    %select_n3A_33 = arith.select %gt3A_32, %squeeze3A_31, %select_n3A_26 : vector<64x1024xi1>, vector<64x1024xf32>
    %jit3A_34 = arith.constant 4 : i32
    %broadcast_in_dim3A_35 = vector.broadcast %jit3A_34 : i32 to vector<64x1024xi32>
    %select_n3A_36 = arith.select %gt3A_32, %broadcast_in_dim3A_35, %select_n3A_29 : vector<64x1024xi1>, vector<64x1024xi32>
    %slice3A_37 = vector.extract_strided_slice %reshape3A {offsets = [5, 0, 0], sizes = [1, 64, 1024], strides = [1, 1, 1]} : vector<128x64x1024xf32> to vector<1x64x1024xf32>
    %squeeze3A_38 = vector.shape_cast %slice3A_37 : vector<1x64x1024xf32> to vector<64x1024xf32>
    %gt3A_39 = arith.cmpf ogt, %squeeze3A_38, %select_n3A_33 : vector<64x1024xf32>
    %select_n3A_40 = arith.select %gt3A_39, %squeeze3A_38, %select_n3A_33 : vector<64x1024xi1>, vector<64x1024xf32>
    %jit3A_41 = arith.constant 5 : i32
    %broadcast_in_dim3A_42 = vector.broadcast %jit3A_41 : i32 to vector<64x1024xi32>
    %select_n3A_43 = arith.select %gt3A_39, %broadcast_in_dim3A_42, %select_n3A_36 : vector<64x1024xi1>, vector<64x1024xi32>
    %slice3A_44 = vector.extract_strided_slice %reshape3A {offsets = [6, 0, 0], sizes = [1, 64, 1024], strides = [1, 1, 1]} : vector<128x64x1024xf32> to vector<1x64x1024xf32>
    %squeeze3A_45 = vector.shape_cast %slice3A_44 : vector<1x64x1024xf32> to vector<64x1024xf32>
    %gt3A_46 = arith.cmpf ogt, %squeeze3A_45, %select_n3A_40 : vector<64x1024xf32>
    %select_n3A_47 = arith.select %gt3A_46, %squeeze3A_45, %select_n3A_40 : vector<64x1024xi1>, vector<64x1024xf32>
    %jit3A_48 = arith.constant 6 : i32
    %broadcast_in_dim3A_49 = vector.broadcast %jit3A_48 : i32 to vector<64x1024xi32>
    %select_n3A_50 = arith.select %gt3A_46, %broadcast_in_dim3A_49, %select_n3A_43 : vector<64x1024xi1>, vector<64x1024xi32>
    %slice3A_51 = vector.extract_strided_slice %reshape3A {offsets = [7, 0, 0], sizes = [1, 64, 1024], strides = [1, 1, 1]} : vector<128x64x1024xf32> to vector<1x64x1024xf32>
    %squeeze3A_52 = vector.shape_cast %slice3A_51 : vector<1x64x1024xf32> to vector<64x1024xf32>
    %gt3A_53 = arith.cmpf ogt, %squeeze3A_52, %select_n3A_47 : vector<64x1024xf32>
    %select_n3A_54 = arith.select %gt3A_53, %squeeze3A_52, %select_n3A_47 : vector<64x1024xi1>, vector<64x1024xf32>
    %jit3A_55 = arith.constant 7 : i32
    %broadcast_in_dim3A_56 = vector.broadcast %jit3A_55 : i32 to vector<64x1024xi32>
    %select_n3A_57 = arith.select %gt3A_53, %broadcast_in_dim3A_56, %select_n3A_50 : vector<64x1024xi1>, vector<64x1024xi32>
    %slice3A_58 = vector.extract_strided_slice %reshape3A {offsets = [8, 0, 0], sizes = [1, 64, 1024], strides = [1, 1, 1]} : vector<128x64x1024xf32> to vector<1x64x1024xf32>
    %squeeze3A_59 = vector.shape_cast %slice3A_58 : vector<1x64x1024xf32> to vector<64x1024xf32>
    %gt3A_60 = arith.cmpf ogt, %squeeze3A_59, %select_n3A_54 : vector<64x1024xf32>
    %select_n3A_61 = arith.select %gt3A_60, %squeeze3A_59, %select_n3A_54 : vector<64x1024xi1>, vector<64x1024xf32>
    %jit3A_62 = arith.constant 8 : i32
    %broadcast_in_dim3A_63 = vector.broadcast %jit3A_62 : i32 to vector<64x1024xi32>
    %select_n3A_64 = arith.select %gt3A_60, %broadcast_in_dim3A_63, %select_n3A_57 : vector<64x1024xi1>, vector<64x1024xi32>
    %slice3A_65 = vector.extract_strided_slice %reshape3A {offsets = [9, 0, 0], sizes = [1, 64, 1024], strides = [1, 1, 1]} : vector<128x64x1024xf32> to vector<1x64x1024xf32>
    %squeeze3A_66 = vector.shape_cast %slice3A_65 : vector<1x64x1024xf32> to vector<64x1024xf32>
    %gt3A_67 = arith.cmpf ogt, %squeeze3A_66, %select_n3A_61 : vector<64x1024xf32>
    %select_n3A_68 = arith.select %gt3A_67, %squeeze3A_66, %select_n3A_61 : vector<64x1024xi1>, vector<64x1024xf32>
    %jit3A_69 = arith.constant 9 : i32
    %broadcast_in_dim3A_70 = vector.broadcast %jit3A_69 : i32 to vector<64x1024xi32>
    %select_n3A_71 = arith.select %gt3A_67, %broadcast_in_dim3A_70, %select_n3A_64 : vector<64x1024xi1>, vector<64x1024xi32>
    %slice3A_72 = vector.extract_strided_slice %reshape3A {offsets = [10, 0, 0], sizes = [1, 64, 1024], strides = [1, 1, 1]} : vector<128x64x1024xf32> to vector<1x64x1024xf32>
    %squeeze3A_73 = vector.shape_cast %slice3A_72 : vector<1x64x1024xf32> to vector<64x1024xf32>
    %gt3A_74 = arith.cmpf ogt, %squeeze3A_73, %select_n3A_68 : vector<64x1024xf32>
    %select_n3A_75 = arith.select %gt3A_74, %squeeze3A_73, %select_n3A_68 : vector<64x1024xi1>, vector<64x1024xf32>
    %jit3A_76 = arith.constant 10 : i32
    %broadcast_in_dim3A_77 = vector.broadcast %jit3A_76 : i32 to vector<64x1024xi32>
    %select_n3A_78 = arith.select %gt3A_74, %broadcast_in_dim3A_77, %select_n3A_71 : vector<64x1024xi1>, vector<64x1024xi32>
    %slice3A_79 = vector.extract_strided_slice %reshape3A {offsets = [11, 0, 0], sizes = [1, 64, 1024], strides = [1, 1, 1]} : vector<128x64x1024xf32> to vector<1x64x1024xf32>
    %squeeze3A_80 = vector.shape_cast %slice3A_79 : vector<1x64x1024xf32> to vector<64x1024xf32>
    %gt3A_81 = arith.cmpf ogt, %squeeze3A_80, %select_n3A_75 : vector<64x1024xf32>
    %select_n3A_82 = arith.select %gt3A_81, %squeeze3A_80, %select_n3A_75 : vector<64x1024xi1>, vector<64x1024xf32>
    %jit3A_83 = arith.constant 11 : i32
    %broadcast_in_dim3A_84 = vector.broadcast %jit3A_83 : i32 to vector<64x1024xi32>
    %select_n3A_85 = arith.select %gt3A_81, %broadcast_in_dim3A_84, %select_n3A_78 : vector<64x1024xi1>, vector<64x1024xi32>
    %slice3A_86 = vector.extract_strided_slice %reshape3A {offsets = [12, 0, 0], sizes = [1, 64, 1024], strides = [1, 1, 1]} : vector<128x64x1024xf32> to vector<1x64x1024xf32>
    %squeeze3A_87 = vector.shape_cast %slice3A_86 : vector<1x64x1024xf32> to vector<64x1024xf32>
    %gt3A_88 = arith.cmpf ogt, %squeeze3A_87, %select_n3A_82 : vector<64x1024xf32>
    %select_n3A_89 = arith.select %gt3A_88, %squeeze3A_87, %select_n3A_82 : vector<64x1024xi1>, vector<64x1024xf32>
    %jit3A_90 = arith.constant 12 : i32
    %broadcast_in_dim3A_91 = vector.broadcast %jit3A_90 : i32 to vector<64x1024xi32>
    %select_n3A_92 = arith.select %gt3A_88, %broadcast_in_dim3A_91, %select_n3A_85 : vector<64x1024xi1>, vector<64x1024xi32>
    %slice3A_93 = vector.extract_strided_slice %reshape3A {offsets = [13, 0, 0], sizes = [1, 64, 1024], strides = [1, 1, 1]} : vector<128x64x1024xf32> to vector<1x64x1024xf32>
    %squeeze3A_94 = vector.shape_cast %slice3A_93 : vector<1x64x1024xf32> to vector<64x1024xf32>
    %gt3A_95 = arith.cmpf ogt, %squeeze3A_94, %select_n3A_89 : vector<64x1024xf32>
    %select_n3A_96 = arith.select %gt3A_95, %squeeze3A_94, %select_n3A_89 : vector<64x1024xi1>, vector<64x1024xf32>
    %jit3A_97 = arith.constant 13 : i32
    %broadcast_in_dim3A_98 = vector.broadcast %jit3A_97 : i32 to vector<64x1024xi32>
    %select_n3A_99 = arith.select %gt3A_95, %broadcast_in_dim3A_98, %select_n3A_92 : vector<64x1024xi1>, vector<64x1024xi32>
    %slice3A_100 = vector.extract_strided_slice %reshape3A {offsets = [14, 0, 0], sizes = [1, 64, 1024], strides = [1, 1, 1]} : vector<128x64x1024xf32> to vector<1x64x1024xf32>
    %squeeze3A_101 = vector.shape_cast %slice3A_100 : vector<1x64x1024xf32> to vector<64x1024xf32>
    %gt3A_102 = arith.cmpf ogt, %squeeze3A_101, %select_n3A_96 : vector<64x1024xf32>
    %select_n3A_103 = arith.select %gt3A_102, %squeeze3A_101, %select_n3A_96 : vector<64x1024xi1>, vector<64x1024xf32>
    %jit3A_104 = arith.constant 14 : i32
    %broadcast_in_dim3A_105 = vector.broadcast %jit3A_104 : i32 to vector<64x1024xi32>
    %select_n3A_106 = arith.select %gt3A_102, %broadcast_in_dim3A_105, %select_n3A_99 : vector<64x1024xi1>, vector<64x1024xi32>
    %slice3A_107 = vector.extract_strided_slice %reshape3A {offsets = [15, 0, 0], sizes = [1, 64, 1024], strides = [1, 1, 1]} : vector<128x64x1024xf32> to vector<1x64x1024xf32>
    %squeeze3A_108 = vector.shape_cast %slice3A_107 : vector<1x64x1024xf32> to vector<64x1024xf32>
    %gt3A_109 = arith.cmpf ogt, %squeeze3A_108, %select_n3A_103 : vector<64x1024xf32>
    %select_n3A_110 = arith.select %gt3A_109, %squeeze3A_108, %select_n3A_103 : vector<64x1024xi1>, vector<64x1024xf32>
    %jit3A_111 = arith.constant 15 : i32
    %broadcast_in_dim3A_112 = vector.broadcast %jit3A_111 : i32 to vector<64x1024xi32>
    %select_n3A_113 = arith.select %gt3A_109, %broadcast_in_dim3A_112, %select_n3A_106 : vector<64x1024xi1>, vector<64x1024xi32>
    %slice3A_114 = vector.extract_strided_slice %reshape3A {offsets = [16, 0, 0], sizes = [1, 64, 1024], strides = [1, 1, 1]} : vector<128x64x1024xf32> to vector<1x64x1024xf32>
    %squeeze3A_115 = vector.shape_cast %slice3A_114 : vector<1x64x1024xf32> to vector<64x1024xf32>
    %gt3A_116 = arith.cmpf ogt, %squeeze3A_115, %select_n3A_110 : vector<64x1024xf32>
    %select_n3A_117 = arith.select %gt3A_116, %squeeze3A_115, %select_n3A_110 : vector<64x1024xi1>, vector<64x1024xf32>
    %jit3A_118 = arith.constant 16 : i32
    %broadcast_in_dim3A_119 = vector.broadcast %jit3A_118 : i32 to vector<64x1024xi32>
    %select_n3A_120 = arith.select %gt3A_116, %broadcast_in_dim3A_119, %select_n3A_113 : vector<64x1024xi1>, vector<64x1024xi32>
    %slice3A_121 = vector.extract_strided_slice %reshape3A {offsets = [17, 0, 0], sizes = [1, 64, 1024], strides = [1, 1, 1]} : vector<128x64x1024xf32> to vector<1x64x1024xf32>
    %squeeze3A_122 = vector.shape_cast %slice3A_121 : vector<1x64x1024xf32> to vector<64x1024xf32>
    %gt3A_123 = arith.cmpf ogt, %squeeze3A_122, %select_n3A_117 : vector<64x1024xf32>
    %select_n3A_124 = arith.select %gt3A_123, %squeeze3A_122, %select_n3A_117 : vector<64x1024xi1>, vector<64x1024xf32>
    %jit3A_125 = arith.constant 17 : i32
    %broadcast_in_dim3A_126 = vector.broadcast %jit3A_125 : i32 to vector<64x1024xi32>
    %select_n3A_127 = arith.select %gt3A_123, %broadcast_in_dim3A_126, %select_n3A_120 : vector<64x1024xi1>, vector<64x1024xi32>
    %slice3A_128 = vector.extract_strided_slice %reshape3A {offsets = [18, 0, 0], sizes = [1, 64, 1024], strides = [1, 1, 1]} : vector<128x64x1024xf32> to vector<1x64x1024xf32>
    %squeeze3A_129 = vector.shape_cast %slice3A_128 : vector<1x64x1024xf32> to vector<64x1024xf32>
    %gt3A_130 = arith.cmpf ogt, %squeeze3A_129, %select_n3A_124 : vector<64x1024xf32>
    %select_n3A_131 = arith.select %gt3A_130, %squeeze3A_129, %select_n3A_124 : vector<64x1024xi1>, vector<64x1024xf32>
    %jit3A_132 = arith.constant 18 : i32
    %broadcast_in_dim3A_133 = vector.broadcast %jit3A_132 : i32 to vector<64x1024xi32>
    %select_n3A_134 = arith.select %gt3A_130, %broadcast_in_dim3A_133, %select_n3A_127 : vector<64x1024xi1>, vector<64x1024xi32>
    %slice3A_135 = vector.extract_strided_slice %reshape3A {offsets = [19, 0, 0], sizes = [1, 64, 1024], strides = [1, 1, 1]} : vector<128x64x1024xf32> to vector<1x64x1024xf32>
    %squeeze3A_136 = vector.shape_cast %slice3A_135 : vector<1x64x1024xf32> to vector<64x1024xf32>
    %gt3A_137 = arith.cmpf ogt, %squeeze3A_136, %select_n3A_131 : vector<64x1024xf32>
    %select_n3A_138 = arith.select %gt3A_137, %squeeze3A_136, %select_n3A_131 : vector<64x1024xi1>, vector<64x1024xf32>
    %jit3A_139 = arith.constant 19 : i32
    %broadcast_in_dim3A_140 = vector.broadcast %jit3A_139 : i32 to vector<64x1024xi32>
    %select_n3A_141 = arith.select %gt3A_137, %broadcast_in_dim3A_140, %select_n3A_134 : vector<64x1024xi1>, vector<64x1024xi32>
    %slice3A_142 = vector.extract_strided_slice %reshape3A {offsets = [20, 0, 0], sizes = [1, 64, 1024], strides = [1, 1, 1]} : vector<128x64x1024xf32> to vector<1x64x1024xf32>
    %squeeze3A_143 = vector.shape_cast %slice3A_142 : vector<1x64x1024xf32> to vector<64x1024xf32>
    %gt3A_144 = arith.cmpf ogt, %squeeze3A_143, %select_n3A_138 : vector<64x1024xf32>
    %select_n3A_145 = arith.select %gt3A_144, %squeeze3A_143, %select_n3A_138 : vector<64x1024xi1>, vector<64x1024xf32>
    %jit3A_146 = arith.constant 20 : i32
    %broadcast_in_dim3A_147 = vector.broadcast %jit3A_146 : i32 to vector<64x1024xi32>
    %select_n3A_148 = arith.select %gt3A_144, %broadcast_in_dim3A_147, %select_n3A_141 : vector<64x1024xi1>, vector<64x1024xi32>
    %slice3A_149 = vector.extract_strided_slice %reshape3A {offsets = [21, 0, 0], sizes = [1, 64, 1024], strides = [1, 1, 1]} : vector<128x64x1024xf32> to vector<1x64x1024xf32>
    %squeeze3A_150 = vector.shape_cast %slice3A_149 : vector<1x64x1024xf32> to vector<64x1024xf32>
    %gt3A_151 = arith.cmpf ogt, %squeeze3A_150, %select_n3A_145 : vector<64x1024xf32>
    %select_n3A_152 = arith.select %gt3A_151, %squeeze3A_150, %select_n3A_145 : vector<64x1024xi1>, vector<64x1024xf32>
    %jit3A_153 = arith.constant 21 : i32
    %broadcast_in_dim3A_154 = vector.broadcast %jit3A_153 : i32 to vector<64x1024xi32>
    %select_n3A_155 = arith.select %gt3A_151, %broadcast_in_dim3A_154, %select_n3A_148 : vector<64x1024xi1>, vector<64x1024xi32>
    %slice3A_156 = vector.extract_strided_slice %reshape3A {offsets = [22, 0, 0], sizes = [1, 64, 1024], strides = [1, 1, 1]} : vector<128x64x1024xf32> to vector<1x64x1024xf32>
    %squeeze3A_157 = vector.shape_cast %slice3A_156 : vector<1x64x1024xf32> to vector<64x1024xf32>
    %gt3A_158 = arith.cmpf ogt, %squeeze3A_157, %select_n3A_152 : vector<64x1024xf32>
    %select_n3A_159 = arith.select %gt3A_158, %squeeze3A_157, %select_n3A_152 : vector<64x1024xi1>, vector<64x1024xf32>
    %jit3A_160 = arith.constant 22 : i32
    %broadcast_in_dim3A_161 = vector.broadcast %jit3A_160 : i32 to vector<64x1024xi32>
    %select_n3A_162 = arith.select %gt3A_158, %broadcast_in_dim3A_161, %select_n3A_155 : vector<64x1024xi1>, vector<64x1024xi32>
    %slice3A_163 = vector.extract_strided_slice %reshape3A {offsets = [23, 0, 0], sizes = [1, 64, 1024], strides = [1, 1, 1]} : vector<128x64x1024xf32> to vector<1x64x1024xf32>
    %squeeze3A_164 = vector.shape_cast %slice3A_163 : vector<1x64x1024xf32> to vector<64x1024xf32>
    %gt3A_165 = arith.cmpf ogt, %squeeze3A_164, %select_n3A_159 : vector<64x1024xf32>
    %select_n3A_166 = arith.select %gt3A_165, %squeeze3A_164, %select_n3A_159 : vector<64x1024xi1>, vector<64x1024xf32>
    %jit3A_167 = arith.constant 23 : i32
    %broadcast_in_dim3A_168 = vector.broadcast %jit3A_167 : i32 to vector<64x1024xi32>
    %select_n3A_169 = arith.select %gt3A_165, %broadcast_in_dim3A_168, %select_n3A_162 : vector<64x1024xi1>, vector<64x1024xi32>
    %slice3A_170 = vector.extract_strided_slice %reshape3A {offsets = [24, 0, 0], sizes = [1, 64, 1024], strides = [1, 1, 1]} : vector<128x64x1024xf32> to vector<1x64x1024xf32>
    %squeeze3A_171 = vector.shape_cast %slice3A_170 : vector<1x64x1024xf32> to vector<64x1024xf32>
    %gt3A_172 = arith.cmpf ogt, %squeeze3A_171, %select_n3A_166 : vector<64x1024xf32>
    %select_n3A_173 = arith.select %gt3A_172, %squeeze3A_171, %select_n3A_166 : vector<64x1024xi1>, vector<64x1024xf32>
    %jit3A_174 = arith.constant 24 : i32
    %broadcast_in_dim3A_175 = vector.broadcast %jit3A_174 : i32 to vector<64x1024xi32>
    %select_n3A_176 = arith.select %gt3A_172, %broadcast_in_dim3A_175, %select_n3A_169 : vector<64x1024xi1>, vector<64x1024xi32>
    %slice3A_177 = vector.extract_strided_slice %reshape3A {offsets = [25, 0, 0], sizes = [1, 64, 1024], strides = [1, 1, 1]} : vector<128x64x1024xf32> to vector<1x64x1024xf32>
    %squeeze3A_178 = vector.shape_cast %slice3A_177 : vector<1x64x1024xf32> to vector<64x1024xf32>
    %gt3A_179 = arith.cmpf ogt, %squeeze3A_178, %select_n3A_173 : vector<64x1024xf32>
    %select_n3A_180 = arith.select %gt3A_179, %squeeze3A_178, %select_n3A_173 : vector<64x1024xi1>, vector<64x1024xf32>
    %jit3A_181 = arith.constant 25 : i32
    %broadcast_in_dim3A_182 = vector.broadcast %jit3A_181 : i32 to vector<64x1024xi32>
    %select_n3A_183 = arith.select %gt3A_179, %broadcast_in_dim3A_182, %select_n3A_176 : vector<64x1024xi1>, vector<64x1024xi32>
    %slice3A_184 = vector.extract_strided_slice %reshape3A {offsets = [26, 0, 0], sizes = [1, 64, 1024], strides = [1, 1, 1]} : vector<128x64x1024xf32> to vector<1x64x1024xf32>
    %squeeze3A_185 = vector.shape_cast %slice3A_184 : vector<1x64x1024xf32> to vector<64x1024xf32>
    %gt3A_186 = arith.cmpf ogt, %squeeze3A_185, %select_n3A_180 : vector<64x1024xf32>
    %select_n3A_187 = arith.select %gt3A_186, %squeeze3A_185, %select_n3A_180 : vector<64x1024xi1>, vector<64x1024xf32>
    %jit3A_188 = arith.constant 26 : i32
    %broadcast_in_dim3A_189 = vector.broadcast %jit3A_188 : i32 to vector<64x1024xi32>
    %select_n3A_190 = arith.select %gt3A_186, %broadcast_in_dim3A_189, %select_n3A_183 : vector<64x1024xi1>, vector<64x1024xi32>
    %slice3A_191 = vector.extract_strided_slice %reshape3A {offsets = [27, 0, 0], sizes = [1, 64, 1024], strides = [1, 1, 1]} : vector<128x64x1024xf32> to vector<1x64x1024xf32>
    %squeeze3A_192 = vector.shape_cast %slice3A_191 : vector<1x64x1024xf32> to vector<64x1024xf32>
    %gt3A_193 = arith.cmpf ogt, %squeeze3A_192, %select_n3A_187 : vector<64x1024xf32>
    %select_n3A_194 = arith.select %gt3A_193, %squeeze3A_192, %select_n3A_187 : vector<64x1024xi1>, vector<64x1024xf32>
    %jit3A_195 = arith.constant 27 : i32
    %broadcast_in_dim3A_196 = vector.broadcast %jit3A_195 : i32 to vector<64x1024xi32>
    %select_n3A_197 = arith.select %gt3A_193, %broadcast_in_dim3A_196, %select_n3A_190 : vector<64x1024xi1>, vector<64x1024xi32>
    %slice3A_198 = vector.extract_strided_slice %reshape3A {offsets = [28, 0, 0], sizes = [1, 64, 1024], strides = [1, 1, 1]} : vector<128x64x1024xf32> to vector<1x64x1024xf32>
    %squeeze3A_199 = vector.shape_cast %slice3A_198 : vector<1x64x1024xf32> to vector<64x1024xf32>
    %gt3A_200 = arith.cmpf ogt, %squeeze3A_199, %select_n3A_194 : vector<64x1024xf32>
    %select_n3A_201 = arith.select %gt3A_200, %squeeze3A_199, %select_n3A_194 : vector<64x1024xi1>, vector<64x1024xf32>
    %jit3A_202 = arith.constant 28 : i32
    %broadcast_in_dim3A_203 = vector.broadcast %jit3A_202 : i32 to vector<64x1024xi32>
    %select_n3A_204 = arith.select %gt3A_200, %broadcast_in_dim3A_203, %select_n3A_197 : vector<64x1024xi1>, vector<64x1024xi32>
    %slice3A_205 = vector.extract_strided_slice %reshape3A {offsets = [29, 0, 0], sizes = [1, 64, 1024], strides = [1, 1, 1]} : vector<128x64x1024xf32> to vector<1x64x1024xf32>
    %squeeze3A_206 = vector.shape_cast %slice3A_205 : vector<1x64x1024xf32> to vector<64x1024xf32>
    %gt3A_207 = arith.cmpf ogt, %squeeze3A_206, %select_n3A_201 : vector<64x1024xf32>
    %select_n3A_208 = arith.select %gt3A_207, %squeeze3A_206, %select_n3A_201 : vector<64x1024xi1>, vector<64x1024xf32>
    %jit3A_209 = arith.constant 29 : i32
    %broadcast_in_dim3A_210 = vector.broadcast %jit3A_209 : i32 to vector<64x1024xi32>
    %select_n3A_211 = arith.select %gt3A_207, %broadcast_in_dim3A_210, %select_n3A_204 : vector<64x1024xi1>, vector<64x1024xi32>
    %slice3A_212 = vector.extract_strided_slice %reshape3A {offsets = [30, 0, 0], sizes = [1, 64, 1024], strides = [1, 1, 1]} : vector<128x64x1024xf32> to vector<1x64x1024xf32>
    %squeeze3A_213 = vector.shape_cast %slice3A_212 : vector<1x64x1024xf32> to vector<64x1024xf32>
    %gt3A_214 = arith.cmpf ogt, %squeeze3A_213, %select_n3A_208 : vector<64x1024xf32>
    %select_n3A_215 = arith.select %gt3A_214, %squeeze3A_213, %select_n3A_208 : vector<64x1024xi1>, vector<64x1024xf32>
    %jit3A_216 = arith.constant 30 : i32
    %broadcast_in_dim3A_217 = vector.broadcast %jit3A_216 : i32 to vector<64x1024xi32>
    %select_n3A_218 = arith.select %gt3A_214, %broadcast_in_dim3A_217, %select_n3A_211 : vector<64x1024xi1>, vector<64x1024xi32>
    %slice3A_219 = vector.extract_strided_slice %reshape3A {offsets = [31, 0, 0], sizes = [1, 64, 1024], strides = [1, 1, 1]} : vector<128x64x1024xf32> to vector<1x64x1024xf32>
    %squeeze3A_220 = vector.shape_cast %slice3A_219 : vector<1x64x1024xf32> to vector<64x1024xf32>
    %gt3A_221 = arith.cmpf ogt, %squeeze3A_220, %select_n3A_215 : vector<64x1024xf32>
    %select_n3A_222 = arith.select %gt3A_221, %squeeze3A_220, %select_n3A_215 : vector<64x1024xi1>, vector<64x1024xf32>
    %jit3A_223 = arith.constant 31 : i32
    %broadcast_in_dim3A_224 = vector.broadcast %jit3A_223 : i32 to vector<64x1024xi32>
    %select_n3A_225 = arith.select %gt3A_221, %broadcast_in_dim3A_224, %select_n3A_218 : vector<64x1024xi1>, vector<64x1024xi32>
    %slice3A_226 = vector.extract_strided_slice %reshape3A {offsets = [32, 0, 0], sizes = [1, 64, 1024], strides = [1, 1, 1]} : vector<128x64x1024xf32> to vector<1x64x1024xf32>
    %squeeze3A_227 = vector.shape_cast %slice3A_226 : vector<1x64x1024xf32> to vector<64x1024xf32>
    %gt3A_228 = arith.cmpf ogt, %squeeze3A_227, %select_n3A_222 : vector<64x1024xf32>
    %select_n3A_229 = arith.select %gt3A_228, %squeeze3A_227, %select_n3A_222 : vector<64x1024xi1>, vector<64x1024xf32>
    %jit3A_230 = arith.constant 32 : i32
    %broadcast_in_dim3A_231 = vector.broadcast %jit3A_230 : i32 to vector<64x1024xi32>
    %select_n3A_232 = arith.select %gt3A_228, %broadcast_in_dim3A_231, %select_n3A_225 : vector<64x1024xi1>, vector<64x1024xi32>
    %slice3A_233 = vector.extract_strided_slice %reshape3A {offsets = [33, 0, 0], sizes = [1, 64, 1024], strides = [1, 1, 1]} : vector<128x64x1024xf32> to vector<1x64x1024xf32>
    %squeeze3A_234 = vector.shape_cast %slice3A_233 : vector<1x64x1024xf32> to vector<64x1024xf32>
    %gt3A_235 = arith.cmpf ogt, %squeeze3A_234, %select_n3A_229 : vector<64x1024xf32>
    %select_n3A_236 = arith.select %gt3A_235, %squeeze3A_234, %select_n3A_229 : vector<64x1024xi1>, vector<64x1024xf32>
    %jit3A_237 = arith.constant 33 : i32
    %broadcast_in_dim3A_238 = vector.broadcast %jit3A_237 : i32 to vector<64x1024xi32>
    %select_n3A_239 = arith.select %gt3A_235, %broadcast_in_dim3A_238, %select_n3A_232 : vector<64x1024xi1>, vector<64x1024xi32>
    %slice3A_240 = vector.extract_strided_slice %reshape3A {offsets = [34, 0, 0], sizes = [1, 64, 1024], strides = [1, 1, 1]} : vector<128x64x1024xf32> to vector<1x64x1024xf32>
    %squeeze3A_241 = vector.shape_cast %slice3A_240 : vector<1x64x1024xf32> to vector<64x1024xf32>
    %gt3A_242 = arith.cmpf ogt, %squeeze3A_241, %select_n3A_236 : vector<64x1024xf32>
    %select_n3A_243 = arith.select %gt3A_242, %squeeze3A_241, %select_n3A_236 : vector<64x1024xi1>, vector<64x1024xf32>
    %jit3A_244 = arith.constant 34 : i32
    %broadcast_in_dim3A_245 = vector.broadcast %jit3A_244 : i32 to vector<64x1024xi32>
    %select_n3A_246 = arith.select %gt3A_242, %broadcast_in_dim3A_245, %select_n3A_239 : vector<64x1024xi1>, vector<64x1024xi32>
    %slice3A_247 = vector.extract_strided_slice %reshape3A {offsets = [35, 0, 0], sizes = [1, 64, 1024], strides = [1, 1, 1]} : vector<128x64x1024xf32> to vector<1x64x1024xf32>
    %squeeze3A_248 = vector.shape_cast %slice3A_247 : vector<1x64x1024xf32> to vector<64x1024xf32>
    %gt3A_249 = arith.cmpf ogt, %squeeze3A_248, %select_n3A_243 : vector<64x1024xf32>
    %select_n3A_250 = arith.select %gt3A_249, %squeeze3A_248, %select_n3A_243 : vector<64x1024xi1>, vector<64x1024xf32>
    %jit3A_251 = arith.constant 35 : i32
    %broadcast_in_dim3A_252 = vector.broadcast %jit3A_251 : i32 to vector<64x1024xi32>
    %select_n3A_253 = arith.select %gt3A_249, %broadcast_in_dim3A_252, %select_n3A_246 : vector<64x1024xi1>, vector<64x1024xi32>
    %slice3A_254 = vector.extract_strided_slice %reshape3A {offsets = [36, 0, 0], sizes = [1, 64, 1024], strides = [1, 1, 1]} : vector<128x64x1024xf32> to vector<1x64x1024xf32>
    %squeeze3A_255 = vector.shape_cast %slice3A_254 : vector<1x64x1024xf32> to vector<64x1024xf32>
    %gt3A_256 = arith.cmpf ogt, %squeeze3A_255, %select_n3A_250 : vector<64x1024xf32>
    %select_n3A_257 = arith.select %gt3A_256, %squeeze3A_255, %select_n3A_250 : vector<64x1024xi1>, vector<64x1024xf32>
    %jit3A_258 = arith.constant 36 : i32
    %broadcast_in_dim3A_259 = vector.broadcast %jit3A_258 : i32 to vector<64x1024xi32>
    %select_n3A_260 = arith.select %gt3A_256, %broadcast_in_dim3A_259, %select_n3A_253 : vector<64x1024xi1>, vector<64x1024xi32>
    %slice3A_261 = vector.extract_strided_slice %reshape3A {offsets = [37, 0, 0], sizes = [1, 64, 1024], strides = [1, 1, 1]} : vector<128x64x1024xf32> to vector<1x64x1024xf32>
    %squeeze3A_262 = vector.shape_cast %slice3A_261 : vector<1x64x1024xf32> to vector<64x1024xf32>
    %gt3A_263 = arith.cmpf ogt, %squeeze3A_262, %select_n3A_257 : vector<64x1024xf32>
    %select_n3A_264 = arith.select %gt3A_263, %squeeze3A_262, %select_n3A_257 : vector<64x1024xi1>, vector<64x1024xf32>
    %jit3A_265 = arith.constant 37 : i32
    %broadcast_in_dim3A_266 = vector.broadcast %jit3A_265 : i32 to vector<64x1024xi32>
    %select_n3A_267 = arith.select %gt3A_263, %broadcast_in_dim3A_266, %select_n3A_260 : vector<64x1024xi1>, vector<64x1024xi32>
    %slice3A_268 = vector.extract_strided_slice %reshape3A {offsets = [38, 0, 0], sizes = [1, 64, 1024], strides = [1, 1, 1]} : vector<128x64x1024xf32> to vector<1x64x1024xf32>
    %squeeze3A_269 = vector.shape_cast %slice3A_268 : vector<1x64x1024xf32> to vector<64x1024xf32>
    %gt3A_270 = arith.cmpf ogt, %squeeze3A_269, %select_n3A_264 : vector<64x1024xf32>
    %select_n3A_271 = arith.select %gt3A_270, %squeeze3A_269, %select_n3A_264 : vector<64x1024xi1>, vector<64x1024xf32>
    %jit3A_272 = arith.constant 38 : i32
    %broadcast_in_dim3A_273 = vector.broadcast %jit3A_272 : i32 to vector<64x1024xi32>
    %select_n3A_274 = arith.select %gt3A_270, %broadcast_in_dim3A_273, %select_n3A_267 : vector<64x1024xi1>, vector<64x1024xi32>
    %slice3A_275 = vector.extract_strided_slice %reshape3A {offsets = [39, 0, 0], sizes = [1, 64, 1024], strides = [1, 1, 1]} : vector<128x64x1024xf32> to vector<1x64x1024xf32>
    %squeeze3A_276 = vector.shape_cast %slice3A_275 : vector<1x64x1024xf32> to vector<64x1024xf32>
    %gt3A_277 = arith.cmpf ogt, %squeeze3A_276, %select_n3A_271 : vector<64x1024xf32>
    %select_n3A_278 = arith.select %gt3A_277, %squeeze3A_276, %select_n3A_271 : vector<64x1024xi1>, vector<64x1024xf32>
    %jit3A_279 = arith.constant 39 : i32
    %broadcast_in_dim3A_280 = vector.broadcast %jit3A_279 : i32 to vector<64x1024xi32>
    %select_n3A_281 = arith.select %gt3A_277, %broadcast_in_dim3A_280, %select_n3A_274 : vector<64x1024xi1>, vector<64x1024xi32>
    %slice3A_282 = vector.extract_strided_slice %reshape3A {offsets = [40, 0, 0], sizes = [1, 64, 1024], strides = [1, 1, 1]} : vector<128x64x1024xf32> to vector<1x64x1024xf32>
    %squeeze3A_283 = vector.shape_cast %slice3A_282 : vector<1x64x1024xf32> to vector<64x1024xf32>
    %gt3A_284 = arith.cmpf ogt, %squeeze3A_283, %select_n3A_278 : vector<64x1024xf32>
    %select_n3A_285 = arith.select %gt3A_284, %squeeze3A_283, %select_n3A_278 : vector<64x1024xi1>, vector<64x1024xf32>
    %jit3A_286 = arith.constant 40 : i32
    %broadcast_in_dim3A_287 = vector.broadcast %jit3A_286 : i32 to vector<64x1024xi32>
    %select_n3A_288 = arith.select %gt3A_284, %broadcast_in_dim3A_287, %select_n3A_281 : vector<64x1024xi1>, vector<64x1024xi32>
    %slice3A_289 = vector.extract_strided_slice %reshape3A {offsets = [41, 0, 0], sizes = [1, 64, 1024], strides = [1, 1, 1]} : vector<128x64x1024xf32> to vector<1x64x1024xf32>
    %squeeze3A_290 = vector.shape_cast %slice3A_289 : vector<1x64x1024xf32> to vector<64x1024xf32>
    %gt3A_291 = arith.cmpf ogt, %squeeze3A_290, %select_n3A_285 : vector<64x1024xf32>
    %select_n3A_292 = arith.select %gt3A_291, %squeeze3A_290, %select_n3A_285 : vector<64x1024xi1>, vector<64x1024xf32>
    %jit3A_293 = arith.constant 41 : i32
    %broadcast_in_dim3A_294 = vector.broadcast %jit3A_293 : i32 to vector<64x1024xi32>
    %select_n3A_295 = arith.select %gt3A_291, %broadcast_in_dim3A_294, %select_n3A_288 : vector<64x1024xi1>, vector<64x1024xi32>
    %slice3A_296 = vector.extract_strided_slice %reshape3A {offsets = [42, 0, 0], sizes = [1, 64, 1024], strides = [1, 1, 1]} : vector<128x64x1024xf32> to vector<1x64x1024xf32>
    %squeeze3A_297 = vector.shape_cast %slice3A_296 : vector<1x64x1024xf32> to vector<64x1024xf32>
    %gt3A_298 = arith.cmpf ogt, %squeeze3A_297, %select_n3A_292 : vector<64x1024xf32>
    %select_n3A_299 = arith.select %gt3A_298, %squeeze3A_297, %select_n3A_292 : vector<64x1024xi1>, vector<64x1024xf32>
    %jit3A_300 = arith.constant 42 : i32
    %broadcast_in_dim3A_301 = vector.broadcast %jit3A_300 : i32 to vector<64x1024xi32>
    %select_n3A_302 = arith.select %gt3A_298, %broadcast_in_dim3A_301, %select_n3A_295 : vector<64x1024xi1>, vector<64x1024xi32>
    %slice3A_303 = vector.extract_strided_slice %reshape3A {offsets = [43, 0, 0], sizes = [1, 64, 1024], strides = [1, 1, 1]} : vector<128x64x1024xf32> to vector<1x64x1024xf32>
    %squeeze3A_304 = vector.shape_cast %slice3A_303 : vector<1x64x1024xf32> to vector<64x1024xf32>
    %gt3A_305 = arith.cmpf ogt, %squeeze3A_304, %select_n3A_299 : vector<64x1024xf32>
    %select_n3A_306 = arith.select %gt3A_305, %squeeze3A_304, %select_n3A_299 : vector<64x1024xi1>, vector<64x1024xf32>
    %jit3A_307 = arith.constant 43 : i32
    %broadcast_in_dim3A_308 = vector.broadcast %jit3A_307 : i32 to vector<64x1024xi32>
    %select_n3A_309 = arith.select %gt3A_305, %broadcast_in_dim3A_308, %select_n3A_302 : vector<64x1024xi1>, vector<64x1024xi32>
    %slice3A_310 = vector.extract_strided_slice %reshape3A {offsets = [44, 0, 0], sizes = [1, 64, 1024], strides = [1, 1, 1]} : vector<128x64x1024xf32> to vector<1x64x1024xf32>
    %squeeze3A_311 = vector.shape_cast %slice3A_310 : vector<1x64x1024xf32> to vector<64x1024xf32>
    %gt3A_312 = arith.cmpf ogt, %squeeze3A_311, %select_n3A_306 : vector<64x1024xf32>
    %select_n3A_313 = arith.select %gt3A_312, %squeeze3A_311, %select_n3A_306 : vector<64x1024xi1>, vector<64x1024xf32>
    %jit3A_314 = arith.constant 44 : i32
    %broadcast_in_dim3A_315 = vector.broadcast %jit3A_314 : i32 to vector<64x1024xi32>
    %select_n3A_316 = arith.select %gt3A_312, %broadcast_in_dim3A_315, %select_n3A_309 : vector<64x1024xi1>, vector<64x1024xi32>
    %slice3A_317 = vector.extract_strided_slice %reshape3A {offsets = [45, 0, 0], sizes = [1, 64, 1024], strides = [1, 1, 1]} : vector<128x64x1024xf32> to vector<1x64x1024xf32>
    %squeeze3A_318 = vector.shape_cast %slice3A_317 : vector<1x64x1024xf32> to vector<64x1024xf32>
    %gt3A_319 = arith.cmpf ogt, %squeeze3A_318, %select_n3A_313 : vector<64x1024xf32>
    %select_n3A_320 = arith.select %gt3A_319, %squeeze3A_318, %select_n3A_313 : vector<64x1024xi1>, vector<64x1024xf32>
    %jit3A_321 = arith.constant 45 : i32
    %broadcast_in_dim3A_322 = vector.broadcast %jit3A_321 : i32 to vector<64x1024xi32>
    %select_n3A_323 = arith.select %gt3A_319, %broadcast_in_dim3A_322, %select_n3A_316 : vector<64x1024xi1>, vector<64x1024xi32>
    %slice3A_324 = vector.extract_strided_slice %reshape3A {offsets = [46, 0, 0], sizes = [1, 64, 1024], strides = [1, 1, 1]} : vector<128x64x1024xf32> to vector<1x64x1024xf32>
    %squeeze3A_325 = vector.shape_cast %slice3A_324 : vector<1x64x1024xf32> to vector<64x1024xf32>
    %gt3A_326 = arith.cmpf ogt, %squeeze3A_325, %select_n3A_320 : vector<64x1024xf32>
    %select_n3A_327 = arith.select %gt3A_326, %squeeze3A_325, %select_n3A_320 : vector<64x1024xi1>, vector<64x1024xf32>
    %jit3A_328 = arith.constant 46 : i32
    %broadcast_in_dim3A_329 = vector.broadcast %jit3A_328 : i32 to vector<64x1024xi32>
    %select_n3A_330 = arith.select %gt3A_326, %broadcast_in_dim3A_329, %select_n3A_323 : vector<64x1024xi1>, vector<64x1024xi32>
    %slice3A_331 = vector.extract_strided_slice %reshape3A {offsets = [47, 0, 0], sizes = [1, 64, 1024], strides = [1, 1, 1]} : vector<128x64x1024xf32> to vector<1x64x1024xf32>
    %squeeze3A_332 = vector.shape_cast %slice3A_331 : vector<1x64x1024xf32> to vector<64x1024xf32>
    %gt3A_333 = arith.cmpf ogt, %squeeze3A_332, %select_n3A_327 : vector<64x1024xf32>
    %select_n3A_334 = arith.select %gt3A_333, %squeeze3A_332, %select_n3A_327 : vector<64x1024xi1>, vector<64x1024xf32>
    %jit3A_335 = arith.constant 47 : i32
    %broadcast_in_dim3A_336 = vector.broadcast %jit3A_335 : i32 to vector<64x1024xi32>
    %select_n3A_337 = arith.select %gt3A_333, %broadcast_in_dim3A_336, %select_n3A_330 : vector<64x1024xi1>, vector<64x1024xi32>
    %slice3A_338 = vector.extract_strided_slice %reshape3A {offsets = [48, 0, 0], sizes = [1, 64, 1024], strides = [1, 1, 1]} : vector<128x64x1024xf32> to vector<1x64x1024xf32>
    %squeeze3A_339 = vector.shape_cast %slice3A_338 : vector<1x64x1024xf32> to vector<64x1024xf32>
    %gt3A_340 = arith.cmpf ogt, %squeeze3A_339, %select_n3A_334 : vector<64x1024xf32>
    %select_n3A_341 = arith.select %gt3A_340, %squeeze3A_339, %select_n3A_334 : vector<64x1024xi1>, vector<64x1024xf32>
    %jit3A_342 = arith.constant 48 : i32
    %broadcast_in_dim3A_343 = vector.broadcast %jit3A_342 : i32 to vector<64x1024xi32>
    %select_n3A_344 = arith.select %gt3A_340, %broadcast_in_dim3A_343, %select_n3A_337 : vector<64x1024xi1>, vector<64x1024xi32>
    %slice3A_345 = vector.extract_strided_slice %reshape3A {offsets = [49, 0, 0], sizes = [1, 64, 1024], strides = [1, 1, 1]} : vector<128x64x1024xf32> to vector<1x64x1024xf32>
    %squeeze3A_346 = vector.shape_cast %slice3A_345 : vector<1x64x1024xf32> to vector<64x1024xf32>
    %gt3A_347 = arith.cmpf ogt, %squeeze3A_346, %select_n3A_341 : vector<64x1024xf32>
    %select_n3A_348 = arith.select %gt3A_347, %squeeze3A_346, %select_n3A_341 : vector<64x1024xi1>, vector<64x1024xf32>
    %jit3A_349 = arith.constant 49 : i32
    %broadcast_in_dim3A_350 = vector.broadcast %jit3A_349 : i32 to vector<64x1024xi32>
    %select_n3A_351 = arith.select %gt3A_347, %broadcast_in_dim3A_350, %select_n3A_344 : vector<64x1024xi1>, vector<64x1024xi32>
    %slice3A_352 = vector.extract_strided_slice %reshape3A {offsets = [50, 0, 0], sizes = [1, 64, 1024], strides = [1, 1, 1]} : vector<128x64x1024xf32> to vector<1x64x1024xf32>
    %squeeze3A_353 = vector.shape_cast %slice3A_352 : vector<1x64x1024xf32> to vector<64x1024xf32>
    %gt3A_354 = arith.cmpf ogt, %squeeze3A_353, %select_n3A_348 : vector<64x1024xf32>
    %select_n3A_355 = arith.select %gt3A_354, %squeeze3A_353, %select_n3A_348 : vector<64x1024xi1>, vector<64x1024xf32>
    %jit3A_356 = arith.constant 50 : i32
    %broadcast_in_dim3A_357 = vector.broadcast %jit3A_356 : i32 to vector<64x1024xi32>
    %select_n3A_358 = arith.select %gt3A_354, %broadcast_in_dim3A_357, %select_n3A_351 : vector<64x1024xi1>, vector<64x1024xi32>
    %slice3A_359 = vector.extract_strided_slice %reshape3A {offsets = [51, 0, 0], sizes = [1, 64, 1024], strides = [1, 1, 1]} : vector<128x64x1024xf32> to vector<1x64x1024xf32>
    %squeeze3A_360 = vector.shape_cast %slice3A_359 : vector<1x64x1024xf32> to vector<64x1024xf32>
    %gt3A_361 = arith.cmpf ogt, %squeeze3A_360, %select_n3A_355 : vector<64x1024xf32>
    %select_n3A_362 = arith.select %gt3A_361, %squeeze3A_360, %select_n3A_355 : vector<64x1024xi1>, vector<64x1024xf32>
    %jit3A_363 = arith.constant 51 : i32
    %broadcast_in_dim3A_364 = vector.broadcast %jit3A_363 : i32 to vector<64x1024xi32>
    %select_n3A_365 = arith.select %gt3A_361, %broadcast_in_dim3A_364, %select_n3A_358 : vector<64x1024xi1>, vector<64x1024xi32>
    %slice3A_366 = vector.extract_strided_slice %reshape3A {offsets = [52, 0, 0], sizes = [1, 64, 1024], strides = [1, 1, 1]} : vector<128x64x1024xf32> to vector<1x64x1024xf32>
    %squeeze3A_367 = vector.shape_cast %slice3A_366 : vector<1x64x1024xf32> to vector<64x1024xf32>
    %gt3A_368 = arith.cmpf ogt, %squeeze3A_367, %select_n3A_362 : vector<64x1024xf32>
    %select_n3A_369 = arith.select %gt3A_368, %squeeze3A_367, %select_n3A_362 : vector<64x1024xi1>, vector<64x1024xf32>
    %jit3A_370 = arith.constant 52 : i32
    %broadcast_in_dim3A_371 = vector.broadcast %jit3A_370 : i32 to vector<64x1024xi32>
    %select_n3A_372 = arith.select %gt3A_368, %broadcast_in_dim3A_371, %select_n3A_365 : vector<64x1024xi1>, vector<64x1024xi32>
    %slice3A_373 = vector.extract_strided_slice %reshape3A {offsets = [53, 0, 0], sizes = [1, 64, 1024], strides = [1, 1, 1]} : vector<128x64x1024xf32> to vector<1x64x1024xf32>
    %squeeze3A_374 = vector.shape_cast %slice3A_373 : vector<1x64x1024xf32> to vector<64x1024xf32>
    %gt3A_375 = arith.cmpf ogt, %squeeze3A_374, %select_n3A_369 : vector<64x1024xf32>
    %select_n3A_376 = arith.select %gt3A_375, %squeeze3A_374, %select_n3A_369 : vector<64x1024xi1>, vector<64x1024xf32>
    %jit3A_377 = arith.constant 53 : i32
    %broadcast_in_dim3A_378 = vector.broadcast %jit3A_377 : i32 to vector<64x1024xi32>
    %select_n3A_379 = arith.select %gt3A_375, %broadcast_in_dim3A_378, %select_n3A_372 : vector<64x1024xi1>, vector<64x1024xi32>
    %slice3A_380 = vector.extract_strided_slice %reshape3A {offsets = [54, 0, 0], sizes = [1, 64, 1024], strides = [1, 1, 1]} : vector<128x64x1024xf32> to vector<1x64x1024xf32>
    %squeeze3A_381 = vector.shape_cast %slice3A_380 : vector<1x64x1024xf32> to vector<64x1024xf32>
    %gt3A_382 = arith.cmpf ogt, %squeeze3A_381, %select_n3A_376 : vector<64x1024xf32>
    %select_n3A_383 = arith.select %gt3A_382, %squeeze3A_381, %select_n3A_376 : vector<64x1024xi1>, vector<64x1024xf32>
    %jit3A_384 = arith.constant 54 : i32
    %broadcast_in_dim3A_385 = vector.broadcast %jit3A_384 : i32 to vector<64x1024xi32>
    %select_n3A_386 = arith.select %gt3A_382, %broadcast_in_dim3A_385, %select_n3A_379 : vector<64x1024xi1>, vector<64x1024xi32>
    %slice3A_387 = vector.extract_strided_slice %reshape3A {offsets = [55, 0, 0], sizes = [1, 64, 1024], strides = [1, 1, 1]} : vector<128x64x1024xf32> to vector<1x64x1024xf32>
    %squeeze3A_388 = vector.shape_cast %slice3A_387 : vector<1x64x1024xf32> to vector<64x1024xf32>
    %gt3A_389 = arith.cmpf ogt, %squeeze3A_388, %select_n3A_383 : vector<64x1024xf32>
    %select_n3A_390 = arith.select %gt3A_389, %squeeze3A_388, %select_n3A_383 : vector<64x1024xi1>, vector<64x1024xf32>
    %jit3A_391 = arith.constant 55 : i32
    %broadcast_in_dim3A_392 = vector.broadcast %jit3A_391 : i32 to vector<64x1024xi32>
    %select_n3A_393 = arith.select %gt3A_389, %broadcast_in_dim3A_392, %select_n3A_386 : vector<64x1024xi1>, vector<64x1024xi32>
    %slice3A_394 = vector.extract_strided_slice %reshape3A {offsets = [56, 0, 0], sizes = [1, 64, 1024], strides = [1, 1, 1]} : vector<128x64x1024xf32> to vector<1x64x1024xf32>
    %squeeze3A_395 = vector.shape_cast %slice3A_394 : vector<1x64x1024xf32> to vector<64x1024xf32>
    %gt3A_396 = arith.cmpf ogt, %squeeze3A_395, %select_n3A_390 : vector<64x1024xf32>
    %select_n3A_397 = arith.select %gt3A_396, %squeeze3A_395, %select_n3A_390 : vector<64x1024xi1>, vector<64x1024xf32>
    %jit3A_398 = arith.constant 56 : i32
    %broadcast_in_dim3A_399 = vector.broadcast %jit3A_398 : i32 to vector<64x1024xi32>
    %select_n3A_400 = arith.select %gt3A_396, %broadcast_in_dim3A_399, %select_n3A_393 : vector<64x1024xi1>, vector<64x1024xi32>
    %slice3A_401 = vector.extract_strided_slice %reshape3A {offsets = [57, 0, 0], sizes = [1, 64, 1024], strides = [1, 1, 1]} : vector<128x64x1024xf32> to vector<1x64x1024xf32>
    %squeeze3A_402 = vector.shape_cast %slice3A_401 : vector<1x64x1024xf32> to vector<64x1024xf32>
    %gt3A_403 = arith.cmpf ogt, %squeeze3A_402, %select_n3A_397 : vector<64x1024xf32>
    %select_n3A_404 = arith.select %gt3A_403, %squeeze3A_402, %select_n3A_397 : vector<64x1024xi1>, vector<64x1024xf32>
    %jit3A_405 = arith.constant 57 : i32
    %broadcast_in_dim3A_406 = vector.broadcast %jit3A_405 : i32 to vector<64x1024xi32>
    %select_n3A_407 = arith.select %gt3A_403, %broadcast_in_dim3A_406, %select_n3A_400 : vector<64x1024xi1>, vector<64x1024xi32>
    %slice3A_408 = vector.extract_strided_slice %reshape3A {offsets = [58, 0, 0], sizes = [1, 64, 1024], strides = [1, 1, 1]} : vector<128x64x1024xf32> to vector<1x64x1024xf32>
    %squeeze3A_409 = vector.shape_cast %slice3A_408 : vector<1x64x1024xf32> to vector<64x1024xf32>
    %gt3A_410 = arith.cmpf ogt, %squeeze3A_409, %select_n3A_404 : vector<64x1024xf32>
    %select_n3A_411 = arith.select %gt3A_410, %squeeze3A_409, %select_n3A_404 : vector<64x1024xi1>, vector<64x1024xf32>
    %jit3A_412 = arith.constant 58 : i32
    %broadcast_in_dim3A_413 = vector.broadcast %jit3A_412 : i32 to vector<64x1024xi32>
    %select_n3A_414 = arith.select %gt3A_410, %broadcast_in_dim3A_413, %select_n3A_407 : vector<64x1024xi1>, vector<64x1024xi32>
    %slice3A_415 = vector.extract_strided_slice %reshape3A {offsets = [59, 0, 0], sizes = [1, 64, 1024], strides = [1, 1, 1]} : vector<128x64x1024xf32> to vector<1x64x1024xf32>
    %squeeze3A_416 = vector.shape_cast %slice3A_415 : vector<1x64x1024xf32> to vector<64x1024xf32>
    %gt3A_417 = arith.cmpf ogt, %squeeze3A_416, %select_n3A_411 : vector<64x1024xf32>
    %select_n3A_418 = arith.select %gt3A_417, %squeeze3A_416, %select_n3A_411 : vector<64x1024xi1>, vector<64x1024xf32>
    %jit3A_419 = arith.constant 59 : i32
    %broadcast_in_dim3A_420 = vector.broadcast %jit3A_419 : i32 to vector<64x1024xi32>
    %select_n3A_421 = arith.select %gt3A_417, %broadcast_in_dim3A_420, %select_n3A_414 : vector<64x1024xi1>, vector<64x1024xi32>
    %slice3A_422 = vector.extract_strided_slice %reshape3A {offsets = [60, 0, 0], sizes = [1, 64, 1024], strides = [1, 1, 1]} : vector<128x64x1024xf32> to vector<1x64x1024xf32>
    %squeeze3A_423 = vector.shape_cast %slice3A_422 : vector<1x64x1024xf32> to vector<64x1024xf32>
    %gt3A_424 = arith.cmpf ogt, %squeeze3A_423, %select_n3A_418 : vector<64x1024xf32>
    %select_n3A_425 = arith.select %gt3A_424, %squeeze3A_423, %select_n3A_418 : vector<64x1024xi1>, vector<64x1024xf32>
    %jit3A_426 = arith.constant 60 : i32
    %broadcast_in_dim3A_427 = vector.broadcast %jit3A_426 : i32 to vector<64x1024xi32>
    %select_n3A_428 = arith.select %gt3A_424, %broadcast_in_dim3A_427, %select_n3A_421 : vector<64x1024xi1>, vector<64x1024xi32>
    %slice3A_429 = vector.extract_strided_slice %reshape3A {offsets = [61, 0, 0], sizes = [1, 64, 1024], strides = [1, 1, 1]} : vector<128x64x1024xf32> to vector<1x64x1024xf32>
    %squeeze3A_430 = vector.shape_cast %slice3A_429 : vector<1x64x1024xf32> to vector<64x1024xf32>
    %gt3A_431 = arith.cmpf ogt, %squeeze3A_430, %select_n3A_425 : vector<64x1024xf32>
    %select_n3A_432 = arith.select %gt3A_431, %squeeze3A_430, %select_n3A_425 : vector<64x1024xi1>, vector<64x1024xf32>
    %jit3A_433 = arith.constant 61 : i32
    %broadcast_in_dim3A_434 = vector.broadcast %jit3A_433 : i32 to vector<64x1024xi32>
    %select_n3A_435 = arith.select %gt3A_431, %broadcast_in_dim3A_434, %select_n3A_428 : vector<64x1024xi1>, vector<64x1024xi32>
    %slice3A_436 = vector.extract_strided_slice %reshape3A {offsets = [62, 0, 0], sizes = [1, 64, 1024], strides = [1, 1, 1]} : vector<128x64x1024xf32> to vector<1x64x1024xf32>
    %squeeze3A_437 = vector.shape_cast %slice3A_436 : vector<1x64x1024xf32> to vector<64x1024xf32>
    %gt3A_438 = arith.cmpf ogt, %squeeze3A_437, %select_n3A_432 : vector<64x1024xf32>
    %select_n3A_439 = arith.select %gt3A_438, %squeeze3A_437, %select_n3A_432 : vector<64x1024xi1>, vector<64x1024xf32>
    %jit3A_440 = arith.constant 62 : i32
    %broadcast_in_dim3A_441 = vector.broadcast %jit3A_440 : i32 to vector<64x1024xi32>
    %select_n3A_442 = arith.select %gt3A_438, %broadcast_in_dim3A_441, %select_n3A_435 : vector<64x1024xi1>, vector<64x1024xi32>
    %slice3A_443 = vector.extract_strided_slice %reshape3A {offsets = [63, 0, 0], sizes = [1, 64, 1024], strides = [1, 1, 1]} : vector<128x64x1024xf32> to vector<1x64x1024xf32>
    %squeeze3A_444 = vector.shape_cast %slice3A_443 : vector<1x64x1024xf32> to vector<64x1024xf32>
    %gt3A_445 = arith.cmpf ogt, %squeeze3A_444, %select_n3A_439 : vector<64x1024xf32>
    %select_n3A_446 = arith.select %gt3A_445, %squeeze3A_444, %select_n3A_439 : vector<64x1024xi1>, vector<64x1024xf32>
    %jit3A_447 = arith.constant 63 : i32
    %broadcast_in_dim3A_448 = vector.broadcast %jit3A_447 : i32 to vector<64x1024xi32>
    %select_n3A_449 = arith.select %gt3A_445, %broadcast_in_dim3A_448, %select_n3A_442 : vector<64x1024xi1>, vector<64x1024xi32>
    %slice3A_450 = vector.extract_strided_slice %reshape3A {offsets = [64, 0, 0], sizes = [1, 64, 1024], strides = [1, 1, 1]} : vector<128x64x1024xf32> to vector<1x64x1024xf32>
    %squeeze3A_451 = vector.shape_cast %slice3A_450 : vector<1x64x1024xf32> to vector<64x1024xf32>
    %gt3A_452 = arith.cmpf ogt, %squeeze3A_451, %select_n3A_446 : vector<64x1024xf32>
    %select_n3A_453 = arith.select %gt3A_452, %squeeze3A_451, %select_n3A_446 : vector<64x1024xi1>, vector<64x1024xf32>
    %jit3A_454 = arith.constant 64 : i32
    %broadcast_in_dim3A_455 = vector.broadcast %jit3A_454 : i32 to vector<64x1024xi32>
    %select_n3A_456 = arith.select %gt3A_452, %broadcast_in_dim3A_455, %select_n3A_449 : vector<64x1024xi1>, vector<64x1024xi32>
    %slice3A_457 = vector.extract_strided_slice %reshape3A {offsets = [65, 0, 0], sizes = [1, 64, 1024], strides = [1, 1, 1]} : vector<128x64x1024xf32> to vector<1x64x1024xf32>
    %squeeze3A_458 = vector.shape_cast %slice3A_457 : vector<1x64x1024xf32> to vector<64x1024xf32>
    %gt3A_459 = arith.cmpf ogt, %squeeze3A_458, %select_n3A_453 : vector<64x1024xf32>
    %select_n3A_460 = arith.select %gt3A_459, %squeeze3A_458, %select_n3A_453 : vector<64x1024xi1>, vector<64x1024xf32>
    %jit3A_461 = arith.constant 65 : i32
    %broadcast_in_dim3A_462 = vector.broadcast %jit3A_461 : i32 to vector<64x1024xi32>
    %select_n3A_463 = arith.select %gt3A_459, %broadcast_in_dim3A_462, %select_n3A_456 : vector<64x1024xi1>, vector<64x1024xi32>
    %slice3A_464 = vector.extract_strided_slice %reshape3A {offsets = [66, 0, 0], sizes = [1, 64, 1024], strides = [1, 1, 1]} : vector<128x64x1024xf32> to vector<1x64x1024xf32>
    %squeeze3A_465 = vector.shape_cast %slice3A_464 : vector<1x64x1024xf32> to vector<64x1024xf32>
    %gt3A_466 = arith.cmpf ogt, %squeeze3A_465, %select_n3A_460 : vector<64x1024xf32>
    %select_n3A_467 = arith.select %gt3A_466, %squeeze3A_465, %select_n3A_460 : vector<64x1024xi1>, vector<64x1024xf32>
    %jit3A_468 = arith.constant 66 : i32
    %broadcast_in_dim3A_469 = vector.broadcast %jit3A_468 : i32 to vector<64x1024xi32>
    %select_n3A_470 = arith.select %gt3A_466, %broadcast_in_dim3A_469, %select_n3A_463 : vector<64x1024xi1>, vector<64x1024xi32>
    %slice3A_471 = vector.extract_strided_slice %reshape3A {offsets = [67, 0, 0], sizes = [1, 64, 1024], strides = [1, 1, 1]} : vector<128x64x1024xf32> to vector<1x64x1024xf32>
    %squeeze3A_472 = vector.shape_cast %slice3A_471 : vector<1x64x1024xf32> to vector<64x1024xf32>
    %gt3A_473 = arith.cmpf ogt, %squeeze3A_472, %select_n3A_467 : vector<64x1024xf32>
    %select_n3A_474 = arith.select %gt3A_473, %squeeze3A_472, %select_n3A_467 : vector<64x1024xi1>, vector<64x1024xf32>
    %jit3A_475 = arith.constant 67 : i32
    %broadcast_in_dim3A_476 = vector.broadcast %jit3A_475 : i32 to vector<64x1024xi32>
    %select_n3A_477 = arith.select %gt3A_473, %broadcast_in_dim3A_476, %select_n3A_470 : vector<64x1024xi1>, vector<64x1024xi32>
    %slice3A_478 = vector.extract_strided_slice %reshape3A {offsets = [68, 0, 0], sizes = [1, 64, 1024], strides = [1, 1, 1]} : vector<128x64x1024xf32> to vector<1x64x1024xf32>
    %squeeze3A_479 = vector.shape_cast %slice3A_478 : vector<1x64x1024xf32> to vector<64x1024xf32>
    %gt3A_480 = arith.cmpf ogt, %squeeze3A_479, %select_n3A_474 : vector<64x1024xf32>
    %select_n3A_481 = arith.select %gt3A_480, %squeeze3A_479, %select_n3A_474 : vector<64x1024xi1>, vector<64x1024xf32>
    %jit3A_482 = arith.constant 68 : i32
    %broadcast_in_dim3A_483 = vector.broadcast %jit3A_482 : i32 to vector<64x1024xi32>
    %select_n3A_484 = arith.select %gt3A_480, %broadcast_in_dim3A_483, %select_n3A_477 : vector<64x1024xi1>, vector<64x1024xi32>
    %slice3A_485 = vector.extract_strided_slice %reshape3A {offsets = [69, 0, 0], sizes = [1, 64, 1024], strides = [1, 1, 1]} : vector<128x64x1024xf32> to vector<1x64x1024xf32>
    %squeeze3A_486 = vector.shape_cast %slice3A_485 : vector<1x64x1024xf32> to vector<64x1024xf32>
    %gt3A_487 = arith.cmpf ogt, %squeeze3A_486, %select_n3A_481 : vector<64x1024xf32>
    %select_n3A_488 = arith.select %gt3A_487, %squeeze3A_486, %select_n3A_481 : vector<64x1024xi1>, vector<64x1024xf32>
    %jit3A_489 = arith.constant 69 : i32
    %broadcast_in_dim3A_490 = vector.broadcast %jit3A_489 : i32 to vector<64x1024xi32>
    %select_n3A_491 = arith.select %gt3A_487, %broadcast_in_dim3A_490, %select_n3A_484 : vector<64x1024xi1>, vector<64x1024xi32>
    %slice3A_492 = vector.extract_strided_slice %reshape3A {offsets = [70, 0, 0], sizes = [1, 64, 1024], strides = [1, 1, 1]} : vector<128x64x1024xf32> to vector<1x64x1024xf32>
    %squeeze3A_493 = vector.shape_cast %slice3A_492 : vector<1x64x1024xf32> to vector<64x1024xf32>
    %gt3A_494 = arith.cmpf ogt, %squeeze3A_493, %select_n3A_488 : vector<64x1024xf32>
    %select_n3A_495 = arith.select %gt3A_494, %squeeze3A_493, %select_n3A_488 : vector<64x1024xi1>, vector<64x1024xf32>
    %jit3A_496 = arith.constant 70 : i32
    %broadcast_in_dim3A_497 = vector.broadcast %jit3A_496 : i32 to vector<64x1024xi32>
    %select_n3A_498 = arith.select %gt3A_494, %broadcast_in_dim3A_497, %select_n3A_491 : vector<64x1024xi1>, vector<64x1024xi32>
    %slice3A_499 = vector.extract_strided_slice %reshape3A {offsets = [71, 0, 0], sizes = [1, 64, 1024], strides = [1, 1, 1]} : vector<128x64x1024xf32> to vector<1x64x1024xf32>
    %squeeze3A_500 = vector.shape_cast %slice3A_499 : vector<1x64x1024xf32> to vector<64x1024xf32>
    %gt3A_501 = arith.cmpf ogt, %squeeze3A_500, %select_n3A_495 : vector<64x1024xf32>
    %select_n3A_502 = arith.select %gt3A_501, %squeeze3A_500, %select_n3A_495 : vector<64x1024xi1>, vector<64x1024xf32>
    %jit3A_503 = arith.constant 71 : i32
    %broadcast_in_dim3A_504 = vector.broadcast %jit3A_503 : i32 to vector<64x1024xi32>
    %select_n3A_505 = arith.select %gt3A_501, %broadcast_in_dim3A_504, %select_n3A_498 : vector<64x1024xi1>, vector<64x1024xi32>
    %slice3A_506 = vector.extract_strided_slice %reshape3A {offsets = [72, 0, 0], sizes = [1, 64, 1024], strides = [1, 1, 1]} : vector<128x64x1024xf32> to vector<1x64x1024xf32>
    %squeeze3A_507 = vector.shape_cast %slice3A_506 : vector<1x64x1024xf32> to vector<64x1024xf32>
    %gt3A_508 = arith.cmpf ogt, %squeeze3A_507, %select_n3A_502 : vector<64x1024xf32>
    %select_n3A_509 = arith.select %gt3A_508, %squeeze3A_507, %select_n3A_502 : vector<64x1024xi1>, vector<64x1024xf32>
    %jit3A_510 = arith.constant 72 : i32
    %broadcast_in_dim3A_511 = vector.broadcast %jit3A_510 : i32 to vector<64x1024xi32>
    %select_n3A_512 = arith.select %gt3A_508, %broadcast_in_dim3A_511, %select_n3A_505 : vector<64x1024xi1>, vector<64x1024xi32>
    %slice3A_513 = vector.extract_strided_slice %reshape3A {offsets = [73, 0, 0], sizes = [1, 64, 1024], strides = [1, 1, 1]} : vector<128x64x1024xf32> to vector<1x64x1024xf32>
    %squeeze3A_514 = vector.shape_cast %slice3A_513 : vector<1x64x1024xf32> to vector<64x1024xf32>
    %gt3A_515 = arith.cmpf ogt, %squeeze3A_514, %select_n3A_509 : vector<64x1024xf32>
    %select_n3A_516 = arith.select %gt3A_515, %squeeze3A_514, %select_n3A_509 : vector<64x1024xi1>, vector<64x1024xf32>
    %jit3A_517 = arith.constant 73 : i32
    %broadcast_in_dim3A_518 = vector.broadcast %jit3A_517 : i32 to vector<64x1024xi32>
    %select_n3A_519 = arith.select %gt3A_515, %broadcast_in_dim3A_518, %select_n3A_512 : vector<64x1024xi1>, vector<64x1024xi32>
    %slice3A_520 = vector.extract_strided_slice %reshape3A {offsets = [74, 0, 0], sizes = [1, 64, 1024], strides = [1, 1, 1]} : vector<128x64x1024xf32> to vector<1x64x1024xf32>
    %squeeze3A_521 = vector.shape_cast %slice3A_520 : vector<1x64x1024xf32> to vector<64x1024xf32>
    %gt3A_522 = arith.cmpf ogt, %squeeze3A_521, %select_n3A_516 : vector<64x1024xf32>
    %select_n3A_523 = arith.select %gt3A_522, %squeeze3A_521, %select_n3A_516 : vector<64x1024xi1>, vector<64x1024xf32>
    %jit3A_524 = arith.constant 74 : i32
    %broadcast_in_dim3A_525 = vector.broadcast %jit3A_524 : i32 to vector<64x1024xi32>
    %select_n3A_526 = arith.select %gt3A_522, %broadcast_in_dim3A_525, %select_n3A_519 : vector<64x1024xi1>, vector<64x1024xi32>
    %slice3A_527 = vector.extract_strided_slice %reshape3A {offsets = [75, 0, 0], sizes = [1, 64, 1024], strides = [1, 1, 1]} : vector<128x64x1024xf32> to vector<1x64x1024xf32>
    %squeeze3A_528 = vector.shape_cast %slice3A_527 : vector<1x64x1024xf32> to vector<64x1024xf32>
    %gt3A_529 = arith.cmpf ogt, %squeeze3A_528, %select_n3A_523 : vector<64x1024xf32>
    %select_n3A_530 = arith.select %gt3A_529, %squeeze3A_528, %select_n3A_523 : vector<64x1024xi1>, vector<64x1024xf32>
    %jit3A_531 = arith.constant 75 : i32
    %broadcast_in_dim3A_532 = vector.broadcast %jit3A_531 : i32 to vector<64x1024xi32>
    %select_n3A_533 = arith.select %gt3A_529, %broadcast_in_dim3A_532, %select_n3A_526 : vector<64x1024xi1>, vector<64x1024xi32>
    %slice3A_534 = vector.extract_strided_slice %reshape3A {offsets = [76, 0, 0], sizes = [1, 64, 1024], strides = [1, 1, 1]} : vector<128x64x1024xf32> to vector<1x64x1024xf32>
    %squeeze3A_535 = vector.shape_cast %slice3A_534 : vector<1x64x1024xf32> to vector<64x1024xf32>
    %gt3A_536 = arith.cmpf ogt, %squeeze3A_535, %select_n3A_530 : vector<64x1024xf32>
    %select_n3A_537 = arith.select %gt3A_536, %squeeze3A_535, %select_n3A_530 : vector<64x1024xi1>, vector<64x1024xf32>
    %jit3A_538 = arith.constant 76 : i32
    %broadcast_in_dim3A_539 = vector.broadcast %jit3A_538 : i32 to vector<64x1024xi32>
    %select_n3A_540 = arith.select %gt3A_536, %broadcast_in_dim3A_539, %select_n3A_533 : vector<64x1024xi1>, vector<64x1024xi32>
    %slice3A_541 = vector.extract_strided_slice %reshape3A {offsets = [77, 0, 0], sizes = [1, 64, 1024], strides = [1, 1, 1]} : vector<128x64x1024xf32> to vector<1x64x1024xf32>
    %squeeze3A_542 = vector.shape_cast %slice3A_541 : vector<1x64x1024xf32> to vector<64x1024xf32>
    %gt3A_543 = arith.cmpf ogt, %squeeze3A_542, %select_n3A_537 : vector<64x1024xf32>
    %select_n3A_544 = arith.select %gt3A_543, %squeeze3A_542, %select_n3A_537 : vector<64x1024xi1>, vector<64x1024xf32>
    %jit3A_545 = arith.constant 77 : i32
    %broadcast_in_dim3A_546 = vector.broadcast %jit3A_545 : i32 to vector<64x1024xi32>
    %select_n3A_547 = arith.select %gt3A_543, %broadcast_in_dim3A_546, %select_n3A_540 : vector<64x1024xi1>, vector<64x1024xi32>
    %slice3A_548 = vector.extract_strided_slice %reshape3A {offsets = [78, 0, 0], sizes = [1, 64, 1024], strides = [1, 1, 1]} : vector<128x64x1024xf32> to vector<1x64x1024xf32>
    %squeeze3A_549 = vector.shape_cast %slice3A_548 : vector<1x64x1024xf32> to vector<64x1024xf32>
    %gt3A_550 = arith.cmpf ogt, %squeeze3A_549, %select_n3A_544 : vector<64x1024xf32>
    %select_n3A_551 = arith.select %gt3A_550, %squeeze3A_549, %select_n3A_544 : vector<64x1024xi1>, vector<64x1024xf32>
    %jit3A_552 = arith.constant 78 : i32
    %broadcast_in_dim3A_553 = vector.broadcast %jit3A_552 : i32 to vector<64x1024xi32>
    %select_n3A_554 = arith.select %gt3A_550, %broadcast_in_dim3A_553, %select_n3A_547 : vector<64x1024xi1>, vector<64x1024xi32>
    %slice3A_555 = vector.extract_strided_slice %reshape3A {offsets = [79, 0, 0], sizes = [1, 64, 1024], strides = [1, 1, 1]} : vector<128x64x1024xf32> to vector<1x64x1024xf32>
    %squeeze3A_556 = vector.shape_cast %slice3A_555 : vector<1x64x1024xf32> to vector<64x1024xf32>
    %gt3A_557 = arith.cmpf ogt, %squeeze3A_556, %select_n3A_551 : vector<64x1024xf32>
    %select_n3A_558 = arith.select %gt3A_557, %squeeze3A_556, %select_n3A_551 : vector<64x1024xi1>, vector<64x1024xf32>
    %jit3A_559 = arith.constant 79 : i32
    %broadcast_in_dim3A_560 = vector.broadcast %jit3A_559 : i32 to vector<64x1024xi32>
    %select_n3A_561 = arith.select %gt3A_557, %broadcast_in_dim3A_560, %select_n3A_554 : vector<64x1024xi1>, vector<64x1024xi32>
    %slice3A_562 = vector.extract_strided_slice %reshape3A {offsets = [80, 0, 0], sizes = [1, 64, 1024], strides = [1, 1, 1]} : vector<128x64x1024xf32> to vector<1x64x1024xf32>
    %squeeze3A_563 = vector.shape_cast %slice3A_562 : vector<1x64x1024xf32> to vector<64x1024xf32>
    %gt3A_564 = arith.cmpf ogt, %squeeze3A_563, %select_n3A_558 : vector<64x1024xf32>
    %select_n3A_565 = arith.select %gt3A_564, %squeeze3A_563, %select_n3A_558 : vector<64x1024xi1>, vector<64x1024xf32>
    %jit3A_566 = arith.constant 80 : i32
    %broadcast_in_dim3A_567 = vector.broadcast %jit3A_566 : i32 to vector<64x1024xi32>
    %select_n3A_568 = arith.select %gt3A_564, %broadcast_in_dim3A_567, %select_n3A_561 : vector<64x1024xi1>, vector<64x1024xi32>
    %slice3A_569 = vector.extract_strided_slice %reshape3A {offsets = [81, 0, 0], sizes = [1, 64, 1024], strides = [1, 1, 1]} : vector<128x64x1024xf32> to vector<1x64x1024xf32>
    %squeeze3A_570 = vector.shape_cast %slice3A_569 : vector<1x64x1024xf32> to vector<64x1024xf32>
    %gt3A_571 = arith.cmpf ogt, %squeeze3A_570, %select_n3A_565 : vector<64x1024xf32>
    %select_n3A_572 = arith.select %gt3A_571, %squeeze3A_570, %select_n3A_565 : vector<64x1024xi1>, vector<64x1024xf32>
    %jit3A_573 = arith.constant 81 : i32
    %broadcast_in_dim3A_574 = vector.broadcast %jit3A_573 : i32 to vector<64x1024xi32>
    %select_n3A_575 = arith.select %gt3A_571, %broadcast_in_dim3A_574, %select_n3A_568 : vector<64x1024xi1>, vector<64x1024xi32>
    %slice3A_576 = vector.extract_strided_slice %reshape3A {offsets = [82, 0, 0], sizes = [1, 64, 1024], strides = [1, 1, 1]} : vector<128x64x1024xf32> to vector<1x64x1024xf32>
    %squeeze3A_577 = vector.shape_cast %slice3A_576 : vector<1x64x1024xf32> to vector<64x1024xf32>
    %gt3A_578 = arith.cmpf ogt, %squeeze3A_577, %select_n3A_572 : vector<64x1024xf32>
    %select_n3A_579 = arith.select %gt3A_578, %squeeze3A_577, %select_n3A_572 : vector<64x1024xi1>, vector<64x1024xf32>
    %jit3A_580 = arith.constant 82 : i32
    %broadcast_in_dim3A_581 = vector.broadcast %jit3A_580 : i32 to vector<64x1024xi32>
    %select_n3A_582 = arith.select %gt3A_578, %broadcast_in_dim3A_581, %select_n3A_575 : vector<64x1024xi1>, vector<64x1024xi32>
    %slice3A_583 = vector.extract_strided_slice %reshape3A {offsets = [83, 0, 0], sizes = [1, 64, 1024], strides = [1, 1, 1]} : vector<128x64x1024xf32> to vector<1x64x1024xf32>
    %squeeze3A_584 = vector.shape_cast %slice3A_583 : vector<1x64x1024xf32> to vector<64x1024xf32>
    %gt3A_585 = arith.cmpf ogt, %squeeze3A_584, %select_n3A_579 : vector<64x1024xf32>
    %select_n3A_586 = arith.select %gt3A_585, %squeeze3A_584, %select_n3A_579 : vector<64x1024xi1>, vector<64x1024xf32>
    %jit3A_587 = arith.constant 83 : i32
    %broadcast_in_dim3A_588 = vector.broadcast %jit3A_587 : i32 to vector<64x1024xi32>
    %select_n3A_589 = arith.select %gt3A_585, %broadcast_in_dim3A_588, %select_n3A_582 : vector<64x1024xi1>, vector<64x1024xi32>
    %slice3A_590 = vector.extract_strided_slice %reshape3A {offsets = [84, 0, 0], sizes = [1, 64, 1024], strides = [1, 1, 1]} : vector<128x64x1024xf32> to vector<1x64x1024xf32>
    %squeeze3A_591 = vector.shape_cast %slice3A_590 : vector<1x64x1024xf32> to vector<64x1024xf32>
    %gt3A_592 = arith.cmpf ogt, %squeeze3A_591, %select_n3A_586 : vector<64x1024xf32>
    %select_n3A_593 = arith.select %gt3A_592, %squeeze3A_591, %select_n3A_586 : vector<64x1024xi1>, vector<64x1024xf32>
    %jit3A_594 = arith.constant 84 : i32
    %broadcast_in_dim3A_595 = vector.broadcast %jit3A_594 : i32 to vector<64x1024xi32>
    %select_n3A_596 = arith.select %gt3A_592, %broadcast_in_dim3A_595, %select_n3A_589 : vector<64x1024xi1>, vector<64x1024xi32>
    %slice3A_597 = vector.extract_strided_slice %reshape3A {offsets = [85, 0, 0], sizes = [1, 64, 1024], strides = [1, 1, 1]} : vector<128x64x1024xf32> to vector<1x64x1024xf32>
    %squeeze3A_598 = vector.shape_cast %slice3A_597 : vector<1x64x1024xf32> to vector<64x1024xf32>
    %gt3A_599 = arith.cmpf ogt, %squeeze3A_598, %select_n3A_593 : vector<64x1024xf32>
    %select_n3A_600 = arith.select %gt3A_599, %squeeze3A_598, %select_n3A_593 : vector<64x1024xi1>, vector<64x1024xf32>
    %jit3A_601 = arith.constant 85 : i32
    %broadcast_in_dim3A_602 = vector.broadcast %jit3A_601 : i32 to vector<64x1024xi32>
    %select_n3A_603 = arith.select %gt3A_599, %broadcast_in_dim3A_602, %select_n3A_596 : vector<64x1024xi1>, vector<64x1024xi32>
    %slice3A_604 = vector.extract_strided_slice %reshape3A {offsets = [86, 0, 0], sizes = [1, 64, 1024], strides = [1, 1, 1]} : vector<128x64x1024xf32> to vector<1x64x1024xf32>
    %squeeze3A_605 = vector.shape_cast %slice3A_604 : vector<1x64x1024xf32> to vector<64x1024xf32>
    %gt3A_606 = arith.cmpf ogt, %squeeze3A_605, %select_n3A_600 : vector<64x1024xf32>
    %select_n3A_607 = arith.select %gt3A_606, %squeeze3A_605, %select_n3A_600 : vector<64x1024xi1>, vector<64x1024xf32>
    %jit3A_608 = arith.constant 86 : i32
    %broadcast_in_dim3A_609 = vector.broadcast %jit3A_608 : i32 to vector<64x1024xi32>
    %select_n3A_610 = arith.select %gt3A_606, %broadcast_in_dim3A_609, %select_n3A_603 : vector<64x1024xi1>, vector<64x1024xi32>
    %slice3A_611 = vector.extract_strided_slice %reshape3A {offsets = [87, 0, 0], sizes = [1, 64, 1024], strides = [1, 1, 1]} : vector<128x64x1024xf32> to vector<1x64x1024xf32>
    %squeeze3A_612 = vector.shape_cast %slice3A_611 : vector<1x64x1024xf32> to vector<64x1024xf32>
    %gt3A_613 = arith.cmpf ogt, %squeeze3A_612, %select_n3A_607 : vector<64x1024xf32>
    %select_n3A_614 = arith.select %gt3A_613, %squeeze3A_612, %select_n3A_607 : vector<64x1024xi1>, vector<64x1024xf32>
    %jit3A_615 = arith.constant 87 : i32
    %broadcast_in_dim3A_616 = vector.broadcast %jit3A_615 : i32 to vector<64x1024xi32>
    %select_n3A_617 = arith.select %gt3A_613, %broadcast_in_dim3A_616, %select_n3A_610 : vector<64x1024xi1>, vector<64x1024xi32>
    %slice3A_618 = vector.extract_strided_slice %reshape3A {offsets = [88, 0, 0], sizes = [1, 64, 1024], strides = [1, 1, 1]} : vector<128x64x1024xf32> to vector<1x64x1024xf32>
    %squeeze3A_619 = vector.shape_cast %slice3A_618 : vector<1x64x1024xf32> to vector<64x1024xf32>
    %gt3A_620 = arith.cmpf ogt, %squeeze3A_619, %select_n3A_614 : vector<64x1024xf32>
    %select_n3A_621 = arith.select %gt3A_620, %squeeze3A_619, %select_n3A_614 : vector<64x1024xi1>, vector<64x1024xf32>
    %jit3A_622 = arith.constant 88 : i32
    %broadcast_in_dim3A_623 = vector.broadcast %jit3A_622 : i32 to vector<64x1024xi32>
    %select_n3A_624 = arith.select %gt3A_620, %broadcast_in_dim3A_623, %select_n3A_617 : vector<64x1024xi1>, vector<64x1024xi32>
    %slice3A_625 = vector.extract_strided_slice %reshape3A {offsets = [89, 0, 0], sizes = [1, 64, 1024], strides = [1, 1, 1]} : vector<128x64x1024xf32> to vector<1x64x1024xf32>
    %squeeze3A_626 = vector.shape_cast %slice3A_625 : vector<1x64x1024xf32> to vector<64x1024xf32>
    %gt3A_627 = arith.cmpf ogt, %squeeze3A_626, %select_n3A_621 : vector<64x1024xf32>
    %select_n3A_628 = arith.select %gt3A_627, %squeeze3A_626, %select_n3A_621 : vector<64x1024xi1>, vector<64x1024xf32>
    %jit3A_629 = arith.constant 89 : i32
    %broadcast_in_dim3A_630 = vector.broadcast %jit3A_629 : i32 to vector<64x1024xi32>
    %select_n3A_631 = arith.select %gt3A_627, %broadcast_in_dim3A_630, %select_n3A_624 : vector<64x1024xi1>, vector<64x1024xi32>
    %slice3A_632 = vector.extract_strided_slice %reshape3A {offsets = [90, 0, 0], sizes = [1, 64, 1024], strides = [1, 1, 1]} : vector<128x64x1024xf32> to vector<1x64x1024xf32>
    %squeeze3A_633 = vector.shape_cast %slice3A_632 : vector<1x64x1024xf32> to vector<64x1024xf32>
    %gt3A_634 = arith.cmpf ogt, %squeeze3A_633, %select_n3A_628 : vector<64x1024xf32>
    %select_n3A_635 = arith.select %gt3A_634, %squeeze3A_633, %select_n3A_628 : vector<64x1024xi1>, vector<64x1024xf32>
    %jit3A_636 = arith.constant 90 : i32
    %broadcast_in_dim3A_637 = vector.broadcast %jit3A_636 : i32 to vector<64x1024xi32>
    %select_n3A_638 = arith.select %gt3A_634, %broadcast_in_dim3A_637, %select_n3A_631 : vector<64x1024xi1>, vector<64x1024xi32>
    %slice3A_639 = vector.extract_strided_slice %reshape3A {offsets = [91, 0, 0], sizes = [1, 64, 1024], strides = [1, 1, 1]} : vector<128x64x1024xf32> to vector<1x64x1024xf32>
    %squeeze3A_640 = vector.shape_cast %slice3A_639 : vector<1x64x1024xf32> to vector<64x1024xf32>
    %gt3A_641 = arith.cmpf ogt, %squeeze3A_640, %select_n3A_635 : vector<64x1024xf32>
    %select_n3A_642 = arith.select %gt3A_641, %squeeze3A_640, %select_n3A_635 : vector<64x1024xi1>, vector<64x1024xf32>
    %jit3A_643 = arith.constant 91 : i32
    %broadcast_in_dim3A_644 = vector.broadcast %jit3A_643 : i32 to vector<64x1024xi32>
    %select_n3A_645 = arith.select %gt3A_641, %broadcast_in_dim3A_644, %select_n3A_638 : vector<64x1024xi1>, vector<64x1024xi32>
    %slice3A_646 = vector.extract_strided_slice %reshape3A {offsets = [92, 0, 0], sizes = [1, 64, 1024], strides = [1, 1, 1]} : vector<128x64x1024xf32> to vector<1x64x1024xf32>
    %squeeze3A_647 = vector.shape_cast %slice3A_646 : vector<1x64x1024xf32> to vector<64x1024xf32>
    %gt3A_648 = arith.cmpf ogt, %squeeze3A_647, %select_n3A_642 : vector<64x1024xf32>
    %select_n3A_649 = arith.select %gt3A_648, %squeeze3A_647, %select_n3A_642 : vector<64x1024xi1>, vector<64x1024xf32>
    %jit3A_650 = arith.constant 92 : i32
    %broadcast_in_dim3A_651 = vector.broadcast %jit3A_650 : i32 to vector<64x1024xi32>
    %select_n3A_652 = arith.select %gt3A_648, %broadcast_in_dim3A_651, %select_n3A_645 : vector<64x1024xi1>, vector<64x1024xi32>
    %slice3A_653 = vector.extract_strided_slice %reshape3A {offsets = [93, 0, 0], sizes = [1, 64, 1024], strides = [1, 1, 1]} : vector<128x64x1024xf32> to vector<1x64x1024xf32>
    %squeeze3A_654 = vector.shape_cast %slice3A_653 : vector<1x64x1024xf32> to vector<64x1024xf32>
    %gt3A_655 = arith.cmpf ogt, %squeeze3A_654, %select_n3A_649 : vector<64x1024xf32>
    %select_n3A_656 = arith.select %gt3A_655, %squeeze3A_654, %select_n3A_649 : vector<64x1024xi1>, vector<64x1024xf32>
    %jit3A_657 = arith.constant 93 : i32
    %broadcast_in_dim3A_658 = vector.broadcast %jit3A_657 : i32 to vector<64x1024xi32>
    %select_n3A_659 = arith.select %gt3A_655, %broadcast_in_dim3A_658, %select_n3A_652 : vector<64x1024xi1>, vector<64x1024xi32>
    %slice3A_660 = vector.extract_strided_slice %reshape3A {offsets = [94, 0, 0], sizes = [1, 64, 1024], strides = [1, 1, 1]} : vector<128x64x1024xf32> to vector<1x64x1024xf32>
    %squeeze3A_661 = vector.shape_cast %slice3A_660 : vector<1x64x1024xf32> to vector<64x1024xf32>
    %gt3A_662 = arith.cmpf ogt, %squeeze3A_661, %select_n3A_656 : vector<64x1024xf32>
    %select_n3A_663 = arith.select %gt3A_662, %squeeze3A_661, %select_n3A_656 : vector<64x1024xi1>, vector<64x1024xf32>
    %jit3A_664 = arith.constant 94 : i32
    %broadcast_in_dim3A_665 = vector.broadcast %jit3A_664 : i32 to vector<64x1024xi32>
    %select_n3A_666 = arith.select %gt3A_662, %broadcast_in_dim3A_665, %select_n3A_659 : vector<64x1024xi1>, vector<64x1024xi32>
    %slice3A_667 = vector.extract_strided_slice %reshape3A {offsets = [95, 0, 0], sizes = [1, 64, 1024], strides = [1, 1, 1]} : vector<128x64x1024xf32> to vector<1x64x1024xf32>
    %squeeze3A_668 = vector.shape_cast %slice3A_667 : vector<1x64x1024xf32> to vector<64x1024xf32>
    %gt3A_669 = arith.cmpf ogt, %squeeze3A_668, %select_n3A_663 : vector<64x1024xf32>
    %select_n3A_670 = arith.select %gt3A_669, %squeeze3A_668, %select_n3A_663 : vector<64x1024xi1>, vector<64x1024xf32>
    %jit3A_671 = arith.constant 95 : i32
    %broadcast_in_dim3A_672 = vector.broadcast %jit3A_671 : i32 to vector<64x1024xi32>
    %select_n3A_673 = arith.select %gt3A_669, %broadcast_in_dim3A_672, %select_n3A_666 : vector<64x1024xi1>, vector<64x1024xi32>
    %slice3A_674 = vector.extract_strided_slice %reshape3A {offsets = [96, 0, 0], sizes = [1, 64, 1024], strides = [1, 1, 1]} : vector<128x64x1024xf32> to vector<1x64x1024xf32>
    %squeeze3A_675 = vector.shape_cast %slice3A_674 : vector<1x64x1024xf32> to vector<64x1024xf32>
    %gt3A_676 = arith.cmpf ogt, %squeeze3A_675, %select_n3A_670 : vector<64x1024xf32>
    %select_n3A_677 = arith.select %gt3A_676, %squeeze3A_675, %select_n3A_670 : vector<64x1024xi1>, vector<64x1024xf32>
    %jit3A_678 = arith.constant 96 : i32
    %broadcast_in_dim3A_679 = vector.broadcast %jit3A_678 : i32 to vector<64x1024xi32>
    %select_n3A_680 = arith.select %gt3A_676, %broadcast_in_dim3A_679, %select_n3A_673 : vector<64x1024xi1>, vector<64x1024xi32>
    %slice3A_681 = vector.extract_strided_slice %reshape3A {offsets = [97, 0, 0], sizes = [1, 64, 1024], strides = [1, 1, 1]} : vector<128x64x1024xf32> to vector<1x64x1024xf32>
    %squeeze3A_682 = vector.shape_cast %slice3A_681 : vector<1x64x1024xf32> to vector<64x1024xf32>
    %gt3A_683 = arith.cmpf ogt, %squeeze3A_682, %select_n3A_677 : vector<64x1024xf32>
    %select_n3A_684 = arith.select %gt3A_683, %squeeze3A_682, %select_n3A_677 : vector<64x1024xi1>, vector<64x1024xf32>
    %jit3A_685 = arith.constant 97 : i32
    %broadcast_in_dim3A_686 = vector.broadcast %jit3A_685 : i32 to vector<64x1024xi32>
    %select_n3A_687 = arith.select %gt3A_683, %broadcast_in_dim3A_686, %select_n3A_680 : vector<64x1024xi1>, vector<64x1024xi32>
    %slice3A_688 = vector.extract_strided_slice %reshape3A {offsets = [98, 0, 0], sizes = [1, 64, 1024], strides = [1, 1, 1]} : vector<128x64x1024xf32> to vector<1x64x1024xf32>
    %squeeze3A_689 = vector.shape_cast %slice3A_688 : vector<1x64x1024xf32> to vector<64x1024xf32>
    %gt3A_690 = arith.cmpf ogt, %squeeze3A_689, %select_n3A_684 : vector<64x1024xf32>
    %select_n3A_691 = arith.select %gt3A_690, %squeeze3A_689, %select_n3A_684 : vector<64x1024xi1>, vector<64x1024xf32>
    %jit3A_692 = arith.constant 98 : i32
    %broadcast_in_dim3A_693 = vector.broadcast %jit3A_692 : i32 to vector<64x1024xi32>
    %select_n3A_694 = arith.select %gt3A_690, %broadcast_in_dim3A_693, %select_n3A_687 : vector<64x1024xi1>, vector<64x1024xi32>
    %slice3A_695 = vector.extract_strided_slice %reshape3A {offsets = [99, 0, 0], sizes = [1, 64, 1024], strides = [1, 1, 1]} : vector<128x64x1024xf32> to vector<1x64x1024xf32>
    %squeeze3A_696 = vector.shape_cast %slice3A_695 : vector<1x64x1024xf32> to vector<64x1024xf32>
    %gt3A_697 = arith.cmpf ogt, %squeeze3A_696, %select_n3A_691 : vector<64x1024xf32>
    %select_n3A_698 = arith.select %gt3A_697, %squeeze3A_696, %select_n3A_691 : vector<64x1024xi1>, vector<64x1024xf32>
    %jit3A_699 = arith.constant 99 : i32
    %broadcast_in_dim3A_700 = vector.broadcast %jit3A_699 : i32 to vector<64x1024xi32>
    %select_n3A_701 = arith.select %gt3A_697, %broadcast_in_dim3A_700, %select_n3A_694 : vector<64x1024xi1>, vector<64x1024xi32>
    %slice3A_702 = vector.extract_strided_slice %reshape3A {offsets = [100, 0, 0], sizes = [1, 64, 1024], strides = [1, 1, 1]} : vector<128x64x1024xf32> to vector<1x64x1024xf32>
    %squeeze3A_703 = vector.shape_cast %slice3A_702 : vector<1x64x1024xf32> to vector<64x1024xf32>
    %gt3A_704 = arith.cmpf ogt, %squeeze3A_703, %select_n3A_698 : vector<64x1024xf32>
    %select_n3A_705 = arith.select %gt3A_704, %squeeze3A_703, %select_n3A_698 : vector<64x1024xi1>, vector<64x1024xf32>
    %jit3A_706 = arith.constant 100 : i32
    %broadcast_in_dim3A_707 = vector.broadcast %jit3A_706 : i32 to vector<64x1024xi32>
    %select_n3A_708 = arith.select %gt3A_704, %broadcast_in_dim3A_707, %select_n3A_701 : vector<64x1024xi1>, vector<64x1024xi32>
    %slice3A_709 = vector.extract_strided_slice %reshape3A {offsets = [101, 0, 0], sizes = [1, 64, 1024], strides = [1, 1, 1]} : vector<128x64x1024xf32> to vector<1x64x1024xf32>
    %squeeze3A_710 = vector.shape_cast %slice3A_709 : vector<1x64x1024xf32> to vector<64x1024xf32>
    %gt3A_711 = arith.cmpf ogt, %squeeze3A_710, %select_n3A_705 : vector<64x1024xf32>
    %select_n3A_712 = arith.select %gt3A_711, %squeeze3A_710, %select_n3A_705 : vector<64x1024xi1>, vector<64x1024xf32>
    %jit3A_713 = arith.constant 101 : i32
    %broadcast_in_dim3A_714 = vector.broadcast %jit3A_713 : i32 to vector<64x1024xi32>
    %select_n3A_715 = arith.select %gt3A_711, %broadcast_in_dim3A_714, %select_n3A_708 : vector<64x1024xi1>, vector<64x1024xi32>
    %slice3A_716 = vector.extract_strided_slice %reshape3A {offsets = [102, 0, 0], sizes = [1, 64, 1024], strides = [1, 1, 1]} : vector<128x64x1024xf32> to vector<1x64x1024xf32>
    %squeeze3A_717 = vector.shape_cast %slice3A_716 : vector<1x64x1024xf32> to vector<64x1024xf32>
    %gt3A_718 = arith.cmpf ogt, %squeeze3A_717, %select_n3A_712 : vector<64x1024xf32>
    %select_n3A_719 = arith.select %gt3A_718, %squeeze3A_717, %select_n3A_712 : vector<64x1024xi1>, vector<64x1024xf32>
    %jit3A_720 = arith.constant 102 : i32
    %broadcast_in_dim3A_721 = vector.broadcast %jit3A_720 : i32 to vector<64x1024xi32>
    %select_n3A_722 = arith.select %gt3A_718, %broadcast_in_dim3A_721, %select_n3A_715 : vector<64x1024xi1>, vector<64x1024xi32>
    %slice3A_723 = vector.extract_strided_slice %reshape3A {offsets = [103, 0, 0], sizes = [1, 64, 1024], strides = [1, 1, 1]} : vector<128x64x1024xf32> to vector<1x64x1024xf32>
    %squeeze3A_724 = vector.shape_cast %slice3A_723 : vector<1x64x1024xf32> to vector<64x1024xf32>
    %gt3A_725 = arith.cmpf ogt, %squeeze3A_724, %select_n3A_719 : vector<64x1024xf32>
    %select_n3A_726 = arith.select %gt3A_725, %squeeze3A_724, %select_n3A_719 : vector<64x1024xi1>, vector<64x1024xf32>
    %jit3A_727 = arith.constant 103 : i32
    %broadcast_in_dim3A_728 = vector.broadcast %jit3A_727 : i32 to vector<64x1024xi32>
    %select_n3A_729 = arith.select %gt3A_725, %broadcast_in_dim3A_728, %select_n3A_722 : vector<64x1024xi1>, vector<64x1024xi32>
    %slice3A_730 = vector.extract_strided_slice %reshape3A {offsets = [104, 0, 0], sizes = [1, 64, 1024], strides = [1, 1, 1]} : vector<128x64x1024xf32> to vector<1x64x1024xf32>
    %squeeze3A_731 = vector.shape_cast %slice3A_730 : vector<1x64x1024xf32> to vector<64x1024xf32>
    %gt3A_732 = arith.cmpf ogt, %squeeze3A_731, %select_n3A_726 : vector<64x1024xf32>
    %select_n3A_733 = arith.select %gt3A_732, %squeeze3A_731, %select_n3A_726 : vector<64x1024xi1>, vector<64x1024xf32>
    %jit3A_734 = arith.constant 104 : i32
    %broadcast_in_dim3A_735 = vector.broadcast %jit3A_734 : i32 to vector<64x1024xi32>
    %select_n3A_736 = arith.select %gt3A_732, %broadcast_in_dim3A_735, %select_n3A_729 : vector<64x1024xi1>, vector<64x1024xi32>
    %slice3A_737 = vector.extract_strided_slice %reshape3A {offsets = [105, 0, 0], sizes = [1, 64, 1024], strides = [1, 1, 1]} : vector<128x64x1024xf32> to vector<1x64x1024xf32>
    %squeeze3A_738 = vector.shape_cast %slice3A_737 : vector<1x64x1024xf32> to vector<64x1024xf32>
    %gt3A_739 = arith.cmpf ogt, %squeeze3A_738, %select_n3A_733 : vector<64x1024xf32>
    %select_n3A_740 = arith.select %gt3A_739, %squeeze3A_738, %select_n3A_733 : vector<64x1024xi1>, vector<64x1024xf32>
    %jit3A_741 = arith.constant 105 : i32
    %broadcast_in_dim3A_742 = vector.broadcast %jit3A_741 : i32 to vector<64x1024xi32>
    %select_n3A_743 = arith.select %gt3A_739, %broadcast_in_dim3A_742, %select_n3A_736 : vector<64x1024xi1>, vector<64x1024xi32>
    %slice3A_744 = vector.extract_strided_slice %reshape3A {offsets = [106, 0, 0], sizes = [1, 64, 1024], strides = [1, 1, 1]} : vector<128x64x1024xf32> to vector<1x64x1024xf32>
    %squeeze3A_745 = vector.shape_cast %slice3A_744 : vector<1x64x1024xf32> to vector<64x1024xf32>
    %gt3A_746 = arith.cmpf ogt, %squeeze3A_745, %select_n3A_740 : vector<64x1024xf32>
    %select_n3A_747 = arith.select %gt3A_746, %squeeze3A_745, %select_n3A_740 : vector<64x1024xi1>, vector<64x1024xf32>
    %jit3A_748 = arith.constant 106 : i32
    %broadcast_in_dim3A_749 = vector.broadcast %jit3A_748 : i32 to vector<64x1024xi32>
    %select_n3A_750 = arith.select %gt3A_746, %broadcast_in_dim3A_749, %select_n3A_743 : vector<64x1024xi1>, vector<64x1024xi32>
    %slice3A_751 = vector.extract_strided_slice %reshape3A {offsets = [107, 0, 0], sizes = [1, 64, 1024], strides = [1, 1, 1]} : vector<128x64x1024xf32> to vector<1x64x1024xf32>
    %squeeze3A_752 = vector.shape_cast %slice3A_751 : vector<1x64x1024xf32> to vector<64x1024xf32>
    %gt3A_753 = arith.cmpf ogt, %squeeze3A_752, %select_n3A_747 : vector<64x1024xf32>
    %select_n3A_754 = arith.select %gt3A_753, %squeeze3A_752, %select_n3A_747 : vector<64x1024xi1>, vector<64x1024xf32>
    %jit3A_755 = arith.constant 107 : i32
    %broadcast_in_dim3A_756 = vector.broadcast %jit3A_755 : i32 to vector<64x1024xi32>
    %select_n3A_757 = arith.select %gt3A_753, %broadcast_in_dim3A_756, %select_n3A_750 : vector<64x1024xi1>, vector<64x1024xi32>
    %slice3A_758 = vector.extract_strided_slice %reshape3A {offsets = [108, 0, 0], sizes = [1, 64, 1024], strides = [1, 1, 1]} : vector<128x64x1024xf32> to vector<1x64x1024xf32>
    %squeeze3A_759 = vector.shape_cast %slice3A_758 : vector<1x64x1024xf32> to vector<64x1024xf32>
    %gt3A_760 = arith.cmpf ogt, %squeeze3A_759, %select_n3A_754 : vector<64x1024xf32>
    %select_n3A_761 = arith.select %gt3A_760, %squeeze3A_759, %select_n3A_754 : vector<64x1024xi1>, vector<64x1024xf32>
    %jit3A_762 = arith.constant 108 : i32
    %broadcast_in_dim3A_763 = vector.broadcast %jit3A_762 : i32 to vector<64x1024xi32>
    %select_n3A_764 = arith.select %gt3A_760, %broadcast_in_dim3A_763, %select_n3A_757 : vector<64x1024xi1>, vector<64x1024xi32>
    %slice3A_765 = vector.extract_strided_slice %reshape3A {offsets = [109, 0, 0], sizes = [1, 64, 1024], strides = [1, 1, 1]} : vector<128x64x1024xf32> to vector<1x64x1024xf32>
    %squeeze3A_766 = vector.shape_cast %slice3A_765 : vector<1x64x1024xf32> to vector<64x1024xf32>
    %gt3A_767 = arith.cmpf ogt, %squeeze3A_766, %select_n3A_761 : vector<64x1024xf32>
    %select_n3A_768 = arith.select %gt3A_767, %squeeze3A_766, %select_n3A_761 : vector<64x1024xi1>, vector<64x1024xf32>
    %jit3A_769 = arith.constant 109 : i32
    %broadcast_in_dim3A_770 = vector.broadcast %jit3A_769 : i32 to vector<64x1024xi32>
    %select_n3A_771 = arith.select %gt3A_767, %broadcast_in_dim3A_770, %select_n3A_764 : vector<64x1024xi1>, vector<64x1024xi32>
    %slice3A_772 = vector.extract_strided_slice %reshape3A {offsets = [110, 0, 0], sizes = [1, 64, 1024], strides = [1, 1, 1]} : vector<128x64x1024xf32> to vector<1x64x1024xf32>
    %squeeze3A_773 = vector.shape_cast %slice3A_772 : vector<1x64x1024xf32> to vector<64x1024xf32>
    %gt3A_774 = arith.cmpf ogt, %squeeze3A_773, %select_n3A_768 : vector<64x1024xf32>
    %select_n3A_775 = arith.select %gt3A_774, %squeeze3A_773, %select_n3A_768 : vector<64x1024xi1>, vector<64x1024xf32>
    %jit3A_776 = arith.constant 110 : i32
    %broadcast_in_dim3A_777 = vector.broadcast %jit3A_776 : i32 to vector<64x1024xi32>
    %select_n3A_778 = arith.select %gt3A_774, %broadcast_in_dim3A_777, %select_n3A_771 : vector<64x1024xi1>, vector<64x1024xi32>
    %slice3A_779 = vector.extract_strided_slice %reshape3A {offsets = [111, 0, 0], sizes = [1, 64, 1024], strides = [1, 1, 1]} : vector<128x64x1024xf32> to vector<1x64x1024xf32>
    %squeeze3A_780 = vector.shape_cast %slice3A_779 : vector<1x64x1024xf32> to vector<64x1024xf32>
    %gt3A_781 = arith.cmpf ogt, %squeeze3A_780, %select_n3A_775 : vector<64x1024xf32>
    %select_n3A_782 = arith.select %gt3A_781, %squeeze3A_780, %select_n3A_775 : vector<64x1024xi1>, vector<64x1024xf32>
    %jit3A_783 = arith.constant 111 : i32
    %broadcast_in_dim3A_784 = vector.broadcast %jit3A_783 : i32 to vector<64x1024xi32>
    %select_n3A_785 = arith.select %gt3A_781, %broadcast_in_dim3A_784, %select_n3A_778 : vector<64x1024xi1>, vector<64x1024xi32>
    %slice3A_786 = vector.extract_strided_slice %reshape3A {offsets = [112, 0, 0], sizes = [1, 64, 1024], strides = [1, 1, 1]} : vector<128x64x1024xf32> to vector<1x64x1024xf32>
    %squeeze3A_787 = vector.shape_cast %slice3A_786 : vector<1x64x1024xf32> to vector<64x1024xf32>
    %gt3A_788 = arith.cmpf ogt, %squeeze3A_787, %select_n3A_782 : vector<64x1024xf32>
    %select_n3A_789 = arith.select %gt3A_788, %squeeze3A_787, %select_n3A_782 : vector<64x1024xi1>, vector<64x1024xf32>
    %jit3A_790 = arith.constant 112 : i32
    %broadcast_in_dim3A_791 = vector.broadcast %jit3A_790 : i32 to vector<64x1024xi32>
    %select_n3A_792 = arith.select %gt3A_788, %broadcast_in_dim3A_791, %select_n3A_785 : vector<64x1024xi1>, vector<64x1024xi32>
    %slice3A_793 = vector.extract_strided_slice %reshape3A {offsets = [113, 0, 0], sizes = [1, 64, 1024], strides = [1, 1, 1]} : vector<128x64x1024xf32> to vector<1x64x1024xf32>
    %squeeze3A_794 = vector.shape_cast %slice3A_793 : vector<1x64x1024xf32> to vector<64x1024xf32>
    %gt3A_795 = arith.cmpf ogt, %squeeze3A_794, %select_n3A_789 : vector<64x1024xf32>
    %select_n3A_796 = arith.select %gt3A_795, %squeeze3A_794, %select_n3A_789 : vector<64x1024xi1>, vector<64x1024xf32>
    %jit3A_797 = arith.constant 113 : i32
    %broadcast_in_dim3A_798 = vector.broadcast %jit3A_797 : i32 to vector<64x1024xi32>
    %select_n3A_799 = arith.select %gt3A_795, %broadcast_in_dim3A_798, %select_n3A_792 : vector<64x1024xi1>, vector<64x1024xi32>
    %slice3A_800 = vector.extract_strided_slice %reshape3A {offsets = [114, 0, 0], sizes = [1, 64, 1024], strides = [1, 1, 1]} : vector<128x64x1024xf32> to vector<1x64x1024xf32>
    %squeeze3A_801 = vector.shape_cast %slice3A_800 : vector<1x64x1024xf32> to vector<64x1024xf32>
    %gt3A_802 = arith.cmpf ogt, %squeeze3A_801, %select_n3A_796 : vector<64x1024xf32>
    %select_n3A_803 = arith.select %gt3A_802, %squeeze3A_801, %select_n3A_796 : vector<64x1024xi1>, vector<64x1024xf32>
    %jit3A_804 = arith.constant 114 : i32
    %broadcast_in_dim3A_805 = vector.broadcast %jit3A_804 : i32 to vector<64x1024xi32>
    %select_n3A_806 = arith.select %gt3A_802, %broadcast_in_dim3A_805, %select_n3A_799 : vector<64x1024xi1>, vector<64x1024xi32>
    %slice3A_807 = vector.extract_strided_slice %reshape3A {offsets = [115, 0, 0], sizes = [1, 64, 1024], strides = [1, 1, 1]} : vector<128x64x1024xf32> to vector<1x64x1024xf32>
    %squeeze3A_808 = vector.shape_cast %slice3A_807 : vector<1x64x1024xf32> to vector<64x1024xf32>
    %gt3A_809 = arith.cmpf ogt, %squeeze3A_808, %select_n3A_803 : vector<64x1024xf32>
    %select_n3A_810 = arith.select %gt3A_809, %squeeze3A_808, %select_n3A_803 : vector<64x1024xi1>, vector<64x1024xf32>
    %jit3A_811 = arith.constant 115 : i32
    %broadcast_in_dim3A_812 = vector.broadcast %jit3A_811 : i32 to vector<64x1024xi32>
    %select_n3A_813 = arith.select %gt3A_809, %broadcast_in_dim3A_812, %select_n3A_806 : vector<64x1024xi1>, vector<64x1024xi32>
    %slice3A_814 = vector.extract_strided_slice %reshape3A {offsets = [116, 0, 0], sizes = [1, 64, 1024], strides = [1, 1, 1]} : vector<128x64x1024xf32> to vector<1x64x1024xf32>
    %squeeze3A_815 = vector.shape_cast %slice3A_814 : vector<1x64x1024xf32> to vector<64x1024xf32>
    %gt3A_816 = arith.cmpf ogt, %squeeze3A_815, %select_n3A_810 : vector<64x1024xf32>
    %select_n3A_817 = arith.select %gt3A_816, %squeeze3A_815, %select_n3A_810 : vector<64x1024xi1>, vector<64x1024xf32>
    %jit3A_818 = arith.constant 116 : i32
    %broadcast_in_dim3A_819 = vector.broadcast %jit3A_818 : i32 to vector<64x1024xi32>
    %select_n3A_820 = arith.select %gt3A_816, %broadcast_in_dim3A_819, %select_n3A_813 : vector<64x1024xi1>, vector<64x1024xi32>
    %slice3A_821 = vector.extract_strided_slice %reshape3A {offsets = [117, 0, 0], sizes = [1, 64, 1024], strides = [1, 1, 1]} : vector<128x64x1024xf32> to vector<1x64x1024xf32>
    %squeeze3A_822 = vector.shape_cast %slice3A_821 : vector<1x64x1024xf32> to vector<64x1024xf32>
    %gt3A_823 = arith.cmpf ogt, %squeeze3A_822, %select_n3A_817 : vector<64x1024xf32>
    %select_n3A_824 = arith.select %gt3A_823, %squeeze3A_822, %select_n3A_817 : vector<64x1024xi1>, vector<64x1024xf32>
    %jit3A_825 = arith.constant 117 : i32
    %broadcast_in_dim3A_826 = vector.broadcast %jit3A_825 : i32 to vector<64x1024xi32>
    %select_n3A_827 = arith.select %gt3A_823, %broadcast_in_dim3A_826, %select_n3A_820 : vector<64x1024xi1>, vector<64x1024xi32>
    %slice3A_828 = vector.extract_strided_slice %reshape3A {offsets = [118, 0, 0], sizes = [1, 64, 1024], strides = [1, 1, 1]} : vector<128x64x1024xf32> to vector<1x64x1024xf32>
    %squeeze3A_829 = vector.shape_cast %slice3A_828 : vector<1x64x1024xf32> to vector<64x1024xf32>
    %gt3A_830 = arith.cmpf ogt, %squeeze3A_829, %select_n3A_824 : vector<64x1024xf32>
    %select_n3A_831 = arith.select %gt3A_830, %squeeze3A_829, %select_n3A_824 : vector<64x1024xi1>, vector<64x1024xf32>
    %jit3A_832 = arith.constant 118 : i32
    %broadcast_in_dim3A_833 = vector.broadcast %jit3A_832 : i32 to vector<64x1024xi32>
    %select_n3A_834 = arith.select %gt3A_830, %broadcast_in_dim3A_833, %select_n3A_827 : vector<64x1024xi1>, vector<64x1024xi32>
    %slice3A_835 = vector.extract_strided_slice %reshape3A {offsets = [119, 0, 0], sizes = [1, 64, 1024], strides = [1, 1, 1]} : vector<128x64x1024xf32> to vector<1x64x1024xf32>
    %squeeze3A_836 = vector.shape_cast %slice3A_835 : vector<1x64x1024xf32> to vector<64x1024xf32>
    %gt3A_837 = arith.cmpf ogt, %squeeze3A_836, %select_n3A_831 : vector<64x1024xf32>
    %select_n3A_838 = arith.select %gt3A_837, %squeeze3A_836, %select_n3A_831 : vector<64x1024xi1>, vector<64x1024xf32>
    %jit3A_839 = arith.constant 119 : i32
    %broadcast_in_dim3A_840 = vector.broadcast %jit3A_839 : i32 to vector<64x1024xi32>
    %select_n3A_841 = arith.select %gt3A_837, %broadcast_in_dim3A_840, %select_n3A_834 : vector<64x1024xi1>, vector<64x1024xi32>
    %slice3A_842 = vector.extract_strided_slice %reshape3A {offsets = [120, 0, 0], sizes = [1, 64, 1024], strides = [1, 1, 1]} : vector<128x64x1024xf32> to vector<1x64x1024xf32>
    %squeeze3A_843 = vector.shape_cast %slice3A_842 : vector<1x64x1024xf32> to vector<64x1024xf32>
    %gt3A_844 = arith.cmpf ogt, %squeeze3A_843, %select_n3A_838 : vector<64x1024xf32>
    %select_n3A_845 = arith.select %gt3A_844, %squeeze3A_843, %select_n3A_838 : vector<64x1024xi1>, vector<64x1024xf32>
    %jit3A_846 = arith.constant 120 : i32
    %broadcast_in_dim3A_847 = vector.broadcast %jit3A_846 : i32 to vector<64x1024xi32>
    %select_n3A_848 = arith.select %gt3A_844, %broadcast_in_dim3A_847, %select_n3A_841 : vector<64x1024xi1>, vector<64x1024xi32>
    %slice3A_849 = vector.extract_strided_slice %reshape3A {offsets = [121, 0, 0], sizes = [1, 64, 1024], strides = [1, 1, 1]} : vector<128x64x1024xf32> to vector<1x64x1024xf32>
    %squeeze3A_850 = vector.shape_cast %slice3A_849 : vector<1x64x1024xf32> to vector<64x1024xf32>
    %gt3A_851 = arith.cmpf ogt, %squeeze3A_850, %select_n3A_845 : vector<64x1024xf32>
    %select_n3A_852 = arith.select %gt3A_851, %squeeze3A_850, %select_n3A_845 : vector<64x1024xi1>, vector<64x1024xf32>
    %jit3A_853 = arith.constant 121 : i32
    %broadcast_in_dim3A_854 = vector.broadcast %jit3A_853 : i32 to vector<64x1024xi32>
    %select_n3A_855 = arith.select %gt3A_851, %broadcast_in_dim3A_854, %select_n3A_848 : vector<64x1024xi1>, vector<64x1024xi32>
    %slice3A_856 = vector.extract_strided_slice %reshape3A {offsets = [122, 0, 0], sizes = [1, 64, 1024], strides = [1, 1, 1]} : vector<128x64x1024xf32> to vector<1x64x1024xf32>
    %squeeze3A_857 = vector.shape_cast %slice3A_856 : vector<1x64x1024xf32> to vector<64x1024xf32>
    %gt3A_858 = arith.cmpf ogt, %squeeze3A_857, %select_n3A_852 : vector<64x1024xf32>
    %select_n3A_859 = arith.select %gt3A_858, %squeeze3A_857, %select_n3A_852 : vector<64x1024xi1>, vector<64x1024xf32>
    %jit3A_860 = arith.constant 122 : i32
    %broadcast_in_dim3A_861 = vector.broadcast %jit3A_860 : i32 to vector<64x1024xi32>
    %select_n3A_862 = arith.select %gt3A_858, %broadcast_in_dim3A_861, %select_n3A_855 : vector<64x1024xi1>, vector<64x1024xi32>
    %slice3A_863 = vector.extract_strided_slice %reshape3A {offsets = [123, 0, 0], sizes = [1, 64, 1024], strides = [1, 1, 1]} : vector<128x64x1024xf32> to vector<1x64x1024xf32>
    %squeeze3A_864 = vector.shape_cast %slice3A_863 : vector<1x64x1024xf32> to vector<64x1024xf32>
    %gt3A_865 = arith.cmpf ogt, %squeeze3A_864, %select_n3A_859 : vector<64x1024xf32>
    %select_n3A_866 = arith.select %gt3A_865, %squeeze3A_864, %select_n3A_859 : vector<64x1024xi1>, vector<64x1024xf32>
    %jit3A_867 = arith.constant 123 : i32
    %broadcast_in_dim3A_868 = vector.broadcast %jit3A_867 : i32 to vector<64x1024xi32>
    %select_n3A_869 = arith.select %gt3A_865, %broadcast_in_dim3A_868, %select_n3A_862 : vector<64x1024xi1>, vector<64x1024xi32>
    %slice3A_870 = vector.extract_strided_slice %reshape3A {offsets = [124, 0, 0], sizes = [1, 64, 1024], strides = [1, 1, 1]} : vector<128x64x1024xf32> to vector<1x64x1024xf32>
    %squeeze3A_871 = vector.shape_cast %slice3A_870 : vector<1x64x1024xf32> to vector<64x1024xf32>
    %gt3A_872 = arith.cmpf ogt, %squeeze3A_871, %select_n3A_866 : vector<64x1024xf32>
    %select_n3A_873 = arith.select %gt3A_872, %squeeze3A_871, %select_n3A_866 : vector<64x1024xi1>, vector<64x1024xf32>
    %jit3A_874 = arith.constant 124 : i32
    %broadcast_in_dim3A_875 = vector.broadcast %jit3A_874 : i32 to vector<64x1024xi32>
    %select_n3A_876 = arith.select %gt3A_872, %broadcast_in_dim3A_875, %select_n3A_869 : vector<64x1024xi1>, vector<64x1024xi32>
    %slice3A_877 = vector.extract_strided_slice %reshape3A {offsets = [125, 0, 0], sizes = [1, 64, 1024], strides = [1, 1, 1]} : vector<128x64x1024xf32> to vector<1x64x1024xf32>
    %squeeze3A_878 = vector.shape_cast %slice3A_877 : vector<1x64x1024xf32> to vector<64x1024xf32>
    %gt3A_879 = arith.cmpf ogt, %squeeze3A_878, %select_n3A_873 : vector<64x1024xf32>
    %select_n3A_880 = arith.select %gt3A_879, %squeeze3A_878, %select_n3A_873 : vector<64x1024xi1>, vector<64x1024xf32>
    %jit3A_881 = arith.constant 125 : i32
    %broadcast_in_dim3A_882 = vector.broadcast %jit3A_881 : i32 to vector<64x1024xi32>
    %select_n3A_883 = arith.select %gt3A_879, %broadcast_in_dim3A_882, %select_n3A_876 : vector<64x1024xi1>, vector<64x1024xi32>
    %slice3A_884 = vector.extract_strided_slice %reshape3A {offsets = [126, 0, 0], sizes = [1, 64, 1024], strides = [1, 1, 1]} : vector<128x64x1024xf32> to vector<1x64x1024xf32>
    %squeeze3A_885 = vector.shape_cast %slice3A_884 : vector<1x64x1024xf32> to vector<64x1024xf32>
    %gt3A_886 = arith.cmpf ogt, %squeeze3A_885, %select_n3A_880 : vector<64x1024xf32>
    %select_n3A_887 = arith.select %gt3A_886, %squeeze3A_885, %select_n3A_880 : vector<64x1024xi1>, vector<64x1024xf32>
    %jit3A_888 = arith.constant 126 : i32
    %broadcast_in_dim3A_889 = vector.broadcast %jit3A_888 : i32 to vector<64x1024xi32>
    %select_n3A_890 = arith.select %gt3A_886, %broadcast_in_dim3A_889, %select_n3A_883 : vector<64x1024xi1>, vector<64x1024xi32>
    %slice3A_891 = vector.extract_strided_slice %reshape3A {offsets = [127, 0, 0], sizes = [1, 64, 1024], strides = [1, 1, 1]} : vector<128x64x1024xf32> to vector<1x64x1024xf32>
    %squeeze3A_892 = vector.shape_cast %slice3A_891 : vector<1x64x1024xf32> to vector<64x1024xf32>
    %gt3A_893 = arith.cmpf ogt, %squeeze3A_892, %select_n3A_887 : vector<64x1024xf32>
    %select_n3A_894 = arith.select %gt3A_893, %squeeze3A_892, %select_n3A_887 : vector<64x1024xi1>, vector<64x1024xf32>
    %jit3A_895 = arith.constant 127 : i32
    %broadcast_in_dim3A_896 = vector.broadcast %jit3A_895 : i32 to vector<64x1024xi32>
    %select_n3A_897 = arith.select %gt3A_893, %broadcast_in_dim3A_896, %select_n3A_890 : vector<64x1024xi1>, vector<64x1024xi32>
    %mul3A = arith.constant 64 : i32
    %mul3A_898 = vector.broadcast %mul3A : i32 to vector<64x1024xi32>
    %mul3A_899 = arith.muli %select_n3A_897, %mul3A_898 : vector<64x1024xi32>
    %iota3A = tpu.iota {dimensions = array<i32: 0>} : vector<64x1024xi32>
    %add3A = arith.addi %mul3A_899, %iota3A : vector<64x1024xi32>
    %reduce_max3A = arith.constant dense<0xFF800000> : vector<1024xf32>
    %reduce_max3A_900 = vector.multi_reduction <maximumf>, %select_n3A_894, %reduce_max3A [0] : vector<64x1024xf32> to vector<1024xf32>
    %broadcast_in_dim3A_901 = vector.shape_cast %reduce_max3A_900 : vector<1024xf32> to vector<1x1024xf32>
    %eq3A = vector.broadcast %broadcast_in_dim3A_901 : vector<1x1024xf32> to vector<64x1024xf32>
    %eq3A_902 = arith.cmpf oeq, %select_n3A_894, %eq3A : vector<64x1024xf32>
    %jit3A_903 = arith.constant 8192 : i32
    %broadcast_in_dim3A_904 = vector.broadcast %jit3A_903 : i32 to vector<64x1024xi32>
    %select_n3A_905 = arith.select %eq3A_902, %add3A, %broadcast_in_dim3A_904 : vector<64x1024xi1>, vector<64x1024xi32>
    %reduce_min3A = arith.constant dense<2147483647> : vector<1024xi32>
    %reduce_min3A_906 = vector.multi_reduction <minsi>, %select_n3A_905, %reduce_min3A [0] : vector<64x1024xi32> to vector<1024xi32>
    %broadcast_in_dim3A_907 = vector.shape_cast %reduce_min3A_906 : vector<1024xi32> to vector<1x1024xi32>
    %swap3A = arith.constant 0 : index
    %swap3A_908 = arith.constant 0 : index
    %swap3A_909 = vector.load %arg4[%swap3A, %swap3A_908] : memref<1x1024xf32, #tpu.memory_space<vmem>>, vector<1x1024xf32>
    tpu.vector_store %arg4[%swap3A, %swap3A_908], %broadcast_in_dim3A_901 {strides = array<i32>} : memref<1x1024xf32, #tpu.memory_space<vmem>>, vector<1x1024xf32>,
    %swap3A_910 = arith.constant 0 : index
    %swap3A_911 = arith.constant 0 : index
    %swap3A_912 = vector.load %arg5[%swap3A_910, %swap3A_911] : memref<1x1024xi32, #tpu.memory_space<vmem>>, vector<1x1024xi32>
    tpu.vector_store %arg5[%swap3A_910, %swap3A_911], %broadcast_in_dim3A_907 {strides = array<i32>} : memref<1x1024xi32, #tpu.memory_space<vmem>>, vector<1x1024xi32>,
    %eq3A_913 = arith.constant 0 : i32
    %eq3A_914 = arith.cmpi eq, %arg0, %eq3A_913 : i32
    %convert_element_type3A = arith.extui %eq3A_914 : i1 to i32
    %cond3A = arith.constant 0 : i32
    %cond3A_915 = arith.cmpi ne, %convert_element_type3A, %cond3A : i32
    scf.if %cond3A_915 {
      %broadcast_in_dim3A_930 = arith.constant 0.000000e+00 : f32
      %broadcast_in_dim3A_931 = vector.broadcast %broadcast_in_dim3A_930 : f32 to vector<1x1xf32>
      %swap3A_932 = arith.constant 0 : index
      %swap3A_933 = arith.constant 0 : index
      %swap3A_934 = vector.load %arg6[%swap3A_932, %swap3A_933] : memref<1x1xf32, #tpu.memory_space<vmem>>, vector<1x1xf32>
      tpu.vector_store %arg6[%swap3A_932, %swap3A_933], %broadcast_in_dim3A_931 {strides = array<i32>} : memref<1x1xf32, #tpu.memory_space<vmem>>, vector<1x1xf32>,
    } else {
    }
    %get3A_916 = arith.constant 0 : index
    %get3A_917 = arith.constant 0 : index
    %get3A_918 = vector.load %arg6[%get3A_916, %get3A_917] : memref<1x1xf32, #tpu.memory_space<vmem>>, vector<1x1xf32>
    %reduce_sum3A = arith.constant dense<0.000000e+00> : vector<1xf32>
    %reduce_sum3A_919 = vector.multi_reduction <add>, %broadcast_in_dim3A_901, %reduce_sum3A [1] : vector<1x1024xf32> to vector<1xf32>
    %broadcast_in_dim3A_920 = vector.shape_cast %reduce_sum3A_919 : vector<1xf32> to vector<1x1xf32>
    %add3A_921 = arith.addf %get3A_918, %broadcast_in_dim3A_920 : vector<1x1xf32>
    %swap3A_922 = arith.constant 0 : index
    %swap3A_923 = arith.constant 0 : index
    %swap3A_924 = vector.load %arg6[%swap3A_922, %swap3A_923] : memref<1x1xf32, #tpu.memory_space<vmem>>, vector<1x1xf32>
    tpu.vector_store %arg6[%swap3A_922, %swap3A_923], %add3A_921 {strides = array<i32>} : memref<1x1xf32, #tpu.memory_space<vmem>>, vector<1x1xf32>,
    %eq3A_925 = arith.constant 3 : i32
    %eq3A_926 = arith.cmpi eq, %arg0, %eq3A_925 : i32
    %convert_element_type3A_927 = arith.extui %eq3A_926 : i1 to i32
    %cond3A_928 = arith.constant 0 : i32
    %cond3A_929 = arith.cmpi ne, %convert_element_type3A_927, %cond3A_928 : i32
    scf.if %cond3A_929 {
      %get3A_930 = arith.constant 0 : index
      %get3A_931 = arith.constant 0 : index
      %get3A_932 = vector.load %arg6[%get3A_930, %get3A_931] : memref<1x1xf32, #tpu.memory_space<vmem>>, vector<1x1xf32>
      %mul3A_933 = arith.constant 2.44140625E-4 : f32
      %mul3A_934 = vector.broadcast %mul3A_933 : f32 to vector<1x1xf32>
      %mul3A_935 = arith.mulf %get3A_932, %mul3A_934 : vector<1x1xf32>
      %swap3A_936 = arith.constant 0 : index
      %swap3A_937 = arith.constant 0 : index
      %swap3A_938 = vector.load %arg6[%swap3A_936, %swap3A_937] : memref<1x1xf32, #tpu.memory_space<vmem>>, vector<1x1xf32>
      tpu.vector_store %arg6[%swap3A_936, %swap3A_937], %mul3A_935 {strides = array<i32>} : memref<1x1xf32, #tpu.memory_space<vmem>>, vector<1x1xf32>,
    } else {
    }
    return
  }
  func.func @transform_0(%arg0: i32) -> (i32, i32) {
    %c0_i32 = arith.constant 0 : i32
    %c0_i32_0 = arith.constant 0 : i32
    return %arg0, %c0_i32 : i32, i32
  }
  func.func @transform_1(%arg0: i32) -> (i32, i32) {
    %c0_i32 = arith.constant 0 : i32
    %c0_i32_0 = arith.constant 0 : i32
    %c0_i32_1 = arith.constant 0 : i32
    return %c0_i32, %c0_i32_0 : i32, i32
  }
  func.func @transform_2(%arg0: i32) -> (i32, i32) {
    %c0_i32 = arith.constant 0 : i32
    %c0_i32_0 = arith.constant 0 : i32
    %c0_i32_1 = arith.constant 0 : i32
    return %c0_i32, %c0_i32_0 : i32, i32
  }
  func.func @transform_3(%arg0: i32) -> (i32, i32) {
    %c0_i32 = arith.constant 0 : i32
    %c0_i32_0 = arith.constant 0 : i32
    return %c0_i32, %arg0 : i32, i32
  }
  func.func @transform_4(%arg0: i32) -> (i32, i32) {
    %c0_i32 = arith.constant 0 : i32
    %c0_i32_0 = arith.constant 0 : i32
    return %c0_i32, %arg0 : i32, i32
  }
  func.func @transform_5(%arg0: i32) -> (i32, i32) {
    %c0_i32 = arith.constant 0 : i32
    %c0_i32_0 = arith.constant 0 : i32
    %c0_i32_1 = arith.constant 0 : i32
    return %c0_i32, %c0_i32_0 : i32, i32
  }
}

</mosaic_0001>

<sc_bundles>
// kernel: kernel.4.cloned.1.call-start
scs
__scs_entry_jumppad:
0x0: {  	(pc) =	sbr.rel $0x88, $3  }
0x1: {  	(tag) =	ssettag $0x0;
	lr =	simm.s32 $0x1  }
0x2: {  	[smem:$0x3F9D] =	sst lr;
	_ =	strace $0xD0000000  }
0x3: {  	_ = 	snop  }
0x4: {  	_ = 	snop  }
0x5: {  	_ = 	snop  }
0x6: {  	_ = 	snop  }
0x7: {  	_ = 	snop  }
__scs_overlays_trampoline_lowered:
0x8: {  	[smem:$0x3FAC] =	sst s0  }
0x9: {  	[smem:$0x3FAD] =	sst s1  }
0xa: {  	[smem:$0x3FAE] =	sst s2  }
0xb: {  	[smem:$0x3FAF] =	sst s3  }
0xc: {  	[smem:$0x3FB0] =	sst s4  }
0xd: {  	[smem:$0x3FB1] =	sst s5  }
0xe: {  	[smem:$0x3FB2] =	sst s6  }
0xf: {  	[smem:$0x3FB3] =	sst s7  }
0x10: {  	[smem:$0x3FB4] =	sst s8  }
0x11: {  	[smem:$0x3FB5] =	sst s9;
	s0 =	simm.s32 @!p0 $0x0  }
0x12: {  	s1 =	sld [smem:$0x3F9B];
	s0 =	simm.s32 @p0 $0x1  }
0x13: {  	[smem:$0x3FB6] =	sst s0;
	s0 =	simm.s32 @!p1 $0x0  }
0x14: {  	s2 =	sld [smem:$0x3F9A];
	s0 =	simm.s32 @p1 $0x1  }
0x15: {  	[smem:$0x3FB7] =	sst s0;
	s0 =	simm.s32 @!p2 $0x0  }
0x16: {  	s3 =	sld [smem:$0x3FDB];
	s0 =	simm.s32 @p2 $0x1  }
0x17: {  	s4 =	simm.s32 $0x1BF5;
	[smem:$0x3FB9] =	sst s0  }
0x18: {  	s0 =	sld [smem:$0x3F9C];
	_ =	swait.ge [sflag:s4], $0x0  }
0x19: {  	s7 =	sld [smem:$0x3F9D]  }
0x1a: {  	s8 =	sadd.s32 $0xFFFFE003, lr  }
0x1b: {  	s9 =	sadd.s32 $0xFFFFFEF7, lr;
	s5 =	simm.s32 $0xFFFFFFFF;
	p2 =	slt.u32 s8, $0xFFFFF086  }
0x1c: {  	p1 =	slt.u32 s9, $0xF7A;
	s5 =	simm.s32 @!p2 $0x0  }
0x1d: {  	s5 =	simm.s32 @p1 $0x1;
	p0 =	seq.s32 s7, s2  }
0x1e: {  	s7 =	smul.u32 @!p0 $0xF7A, s2;
	p2 =	seq.s32 @!p0 s5, $0x0  }
0x1f: {  	s9 =	smul.u32 $0xF7A, s1;
	s8 =	simm.s32 @!p0 $0x1BF5;
	p2 =	por !p2, p0  }
0x20: {  	[sflag:s8] =	ssyncset.s32 @!p0 $0xFFFFF086;
	s6 =	sadd.s32 @!p0 s3, s7;
	s7 =	simm.s32 @!p0 $0x108  }
0x21: {  	s3 =	sadd.s32 s3, s9;
	s6 =	sadd.s32 @!p0 $0x88, s6;
	s7 =	simm.s32 @p2 $0x1082  }
0x22: {  	[simem:s7], [sflag:s8] =	dma.local @!p0 [hbm:s6], $0xF7A  }
0x23: {  	s9 =	sor.u32 $0xD0000000, s2;
	s6 =	simm.s32 $0x108;
	_ =	swait.ge @!p0 [sflag:s8], $0x0  }
0x24: {  	s3 =	sadd.s32 $0x88, s3;
	s6 =	simm.s32 @!p1 $0x1082;
	[sflag:s4] =	ssyncset.s32 $0xFFFFF086  }
0x25: {  	[simem:s6], [sflag:s4] =	dma.local [hbm:s3], $0xF7A  }
0x26: {  	[smem:$0x3F9D] =	sst s1;
	(tag) =	ssettag s2;
	_ =	strace s9  }
0x27: {  	s1 =	sld [smem:$0x3FAD]  }
0x28: {  	s2 =	sld [smem:$0x3FAE]  }
0x29: {  	s4 =	sld [smem:$0x3FB0]  }
0x2a: {  	p0 =	seq.s32 s5, $0x0;
	s5 =	sld [smem:$0x3FB1]  }
0x2b: {  	s6 =	sld [smem:$0x3FB2]  }
0x2c: {  	s7 =	sld [smem:$0x3FB3]  }
0x2d: {  	s3 =	simm.s32 $0x108;
	s8 =	sld [smem:$0x3FB4]  }
0x2e: {  	s3 =	simm.s32 @!p0 $0x1082;
	s9 =	sld [smem:$0x3FB5]  }
0x2f: {  	lr =	sadd.s32 s0, s3;
	s0 =	sld [smem:$0x3FAC]  }
0x30: {  	s3 =	sld [smem:$0x3FAF]  }
0x31: {  	[smem:$0x3FB8] =	sst s10  }
0x32: {  	s10 =	sld [smem:$0x3FB6];
	_ =	sdelay $0x3  }
0x33: {  	p0 =	seq.s32 s10, $0x1;
	s10 =	sld [smem:$0x3FB8];
	_ =	sdelay $0x3  }
0x34: {  	[smem:$0x3FB8] =	sst s10  }
0x35: {  	s10 =	sld [smem:$0x3FB7];
	_ =	sdelay $0x3  }
0x36: {  	p1 =	seq.s32 s10, $0x1;
	s10 =	sld [smem:$0x3FB8];
	_ =	sdelay $0x3  }
0x37: {  	[smem:$0x3FB8] =	sst s10  }
0x38: {  	s10 =	sld [smem:$0x3FB9]  }
0x39: {  	_ = 	snop;
	(pc) =	sbr.ind lr, $3  }
0x3a: {  	_ = 	snop  }
0x3b: {  	_ = 	snop  }
0x3c: {  	p2 =	seq.s32 s10, $0x1;
	s10 =	sld [smem:$0x3FB8]  }
0x3d: {  	_ =	shalt  }
0x3e: {  	_ =	shalt  }
0x3f: {  	_ =	shalt  }
0x40: {  	_ =	shalt  }
0x41: {  	_ =	shalt  }
0x42: {  	_ =	shalt  }
0x43: {  	_ =	shalt  }
0x44: {  	_ =	shalt  }
0x45: {  	_ =	shalt  }
0x46: {  	_ =	shalt  }
0x47: {  	_ =	shalt  }
0x48: {  	_ =	shalt  }
0x49: {  	_ =	shalt  }
0x4a: {  	_ =	shalt  }
0x4b: {  	_ =	shalt  }
0x4c: {  	_ =	shalt  }
0x4d: {  	_ =	shalt  }
0x4e: {  	_ =	shalt  }
0x4f: {  	_ =	shalt  }
0x50: {  	_ =	shalt  }
0x51: {  	_ =	shalt  }
0x52: {  	_ =	shalt  }
0x53: {  	_ =	shalt  }
0x54: {  	_ =	shalt  }
0x55: {  	_ =	shalt  }
0x56: {  	_ =	shalt  }
0x57: {  	_ =	shalt  }
0x58: {  	_ =	shalt  }
0x59: {  	_ =	shalt  }
0x5a: {  	_ =	shalt  }
0x5b: {  	_ =	shalt  }
0x5c: {  	_ =	shalt  }
0x5d: {  	_ =	shalt  }
0x5e: {  	_ =	shalt  }
0x5f: {  	_ =	shalt  }
0x60: {  	_ =	shalt  }
0x61: {  	_ =	shalt  }
0x62: {  	_ =	shalt  }
0x63: {  	_ =	shalt  }
0x64: {  	_ =	shalt  }
0x65: {  	_ =	shalt  }
0x66: {  	_ =	shalt  }
0x67: {  	_ =	shalt  }
0x68: {  	_ =	shalt  }
0x69: {  	_ =	shalt  }
0x6a: {  	_ =	shalt  }
0x6b: {  	_ =	shalt  }
0x6c: {  	_ =	shalt  }
0x6d: {  	_ =	shalt  }
0x6e: {  	_ =	shalt  }
0x6f: {  	_ =	shalt  }
0x70: {  	_ =	shalt  }
0x71: {  	_ =	shalt  }
0x72: {  	_ =	shalt  }
0x73: {  	_ =	shalt  }
0x74: {  	_ =	shalt  }
0x75: {  	_ =	shalt  }
0x76: {  	_ =	shalt  }
0x77: {  	_ =	shalt  }
0x78: {  	_ =	shalt  }
0x79: {  	_ =	shalt  }
0x7a: {  	_ =	shalt  }
0x7b: {  	_ =	shalt  }
0x7c: {  	_ =	shalt  }
0x7d: {  	_ =	shalt  }
0x7e: {  	_ =	shalt  }
0x7f: {  	_ =	shalt  }
0x80: {  	_ =	shalt  }
0x81: {  	_ =	shalt  }
0x82: {  	_ =	shalt  }
0x83: {  	_ =	shalt  }
0x84: {  	_ =	shalt  }
0x85: {  	_ =	shalt  }
0x86: {  	_ =	shalt  }
0x87: {  	_ =	shalt  }
.Lfunc_end0:
.L_simem_size_0:
called_computation_lowered:
.L_overlay_start_0:
0x88: {  	s2 =	sld [smem:$0x3FD9]  }
0x89: {  	s3 =	sld [smem:$0x3FFE];
	_ =	sdelay $0x1  }
0x8a: {  	s1 =	srdreg.scid  }
0x8b: {  	s0 =	sand.u32 $0x1, s1  }
0x8c: {  	s14 =	sshll.u32 s0, $0xA;
	s2 =	sadd.s32 s3, s2  }
0x8d: {  	s2 =	sadd.s32 s2, s14  }
0x8e: {  	[smem:$0x3FC4] =	sst s2  }
0x8f: {  	_ = 	snop  }
0x90: {  	s2 =	sld [smem:$0x3FD0];
	_ =	sdelay $0x2  }
0x91: {  	s15 =	simm.s32 $0xA;
	s4 =	simm.s32 $0x10  }
0x92: {  	[smem:s4], [sflag:s15] =	dma.local [hbm:s2], $0x1  }
0x93: {  	_ =	swait.eq [sflag:s15], $0x1  }
0x94: {  	[sflag:s15] =	ssyncset.done $0x0  }
0x95: {  	[sflag:s15] =	ssyncadd.s32 $0xFFFFFFFF  }
0x96: {  	s16 =	sld [smem:$0x10];
	(tm) =	ssettm $0x1  }
0x97: {  	s17 =	sld [smem:$0x3FFB];
	_ =	sdelay $0x3  }
0x98: {  	_ =	strace s17  }
0x99: {  	s3 =	sld [smem:$0x3FFC];
	_ =	sdelay $0x3  }
0x9a: {  	_ =	strace s3  }
0x9b: {  	s3 =	sld [smem:$0x3FFD];
	_ =	sdelay $0x3  }
0x9c: {  	_ =	strace s3  }
0x9d: {  	_ =	strace $0x8FFFFFFF  }
0x9e: {  	s18 =	sld [smem:$0x3FDB];
	_ =	sdelay $0x1  }
0x9f: {  	s19 =	simm.s32 $_scs_section_size  }
0xa0: {  	s5 =	simm.s32 $_size__tile_overlayer_lowered;
	s6 =	simm.s32 $_tile_overlayer_lowered  }
0xa1: {  	s22 =	simm.s32 $0x1BFF;
	s21 =	sshll.u32 s6, $0x1;
	s3 =	sadd.s32 s19, s18  }
0xa2: {  	s7 =	simm.s32 $0x0;
	s20 =	sshll.u32 s5, $0x1;
	s5 =	sadd.s32 s21, s3  }
0xa3: {  	[timem:s7], [sflag:s22] =	dma.local [hbm:s5], s20  }
0xa4: {  	_ =	swait.ge [sflag:s22], s20  }
0xa5: {  	s4 =	ssub.s32 $0x0, s20;
	[sflag:s22] =	ssyncset.done $0x0  }
0xa6: {  	[sflag:s22] =	ssyncadd.s32 s4;
	_ =	sdelay $0x1  }
0xa7: {  	s23 =	simm.s32 $0x1B8B  }
0xa8: {  	_ =	swait.ge [sflag:s23], $0x1  }
0xa9: {  	[sflag:s23] =	ssyncset.done $0x0  }
0xaa: {  	s25 =	simm.s32 $0x1B8E;
	s24 =	sld [smem:$0x3FFE];
	[sflag:s23] =	ssyncadd.s32 $0xFFFFFFFF  }
0xab: {  	s26 =	simm.s32 $execute0_lowered;
	[smem:$0x3FD2] =	sst s25  }
0xac: {  	s5 =	sshll.u32 s26, $0x1;
	_ =	strace $0x80000046;
	[dreg:$0x1] =	wrdreg $0xFFFFFFFF  }
0xad: {  	s28 =	simm.s32 $_size_execute0_lowered;
	s3 =	sadd.s32 s3, s5;
	[dreg:$0x0] =	wrdreg $0x0  }
0xae: {  	s5 =	sshll.u32 s28, $0x1;
	[dreg:$0x2] =	wrdreg s3  }
0xaf: {  	[dreg:$0x3] =	wrdreg s5  }
0xb0: {  	[dreg:$0x4] =	wrdreg $0xC0  }
0xb1: {  	_ =	task [dreg:s7], $0x5FFFF  }
0xb2: {  	[dreg:$0x1] =	wrdreg $0xFFFFFFFF  }
0xb3: {  	[dreg:$0x0] =	wrdreg $0x60  }
0xb4: {  	[dreg:$0x2] =	wrdreg s24  }
0xb5: {  	[dreg:$0x3] =	wrdreg s16  }
0xb6: {  	[dreg:$0x4] =	wrdreg $0x9  }
0xb7: {  	_ =	task.clear_ibuf [dreg:s7], $0x5FFFF;
	_ =	strace $0x90000046  }
0xb8: {  	s29 =	simm.s32 $0x9;
	_ =	strace $0x80000048  }
0xb9: {  	_ =	swait.ge [sflag:s29], $0x1  }
0xba: {  	[sflag:s29] =	ssyncadd.s32 $0xFFFFFFFF  }
0xbb: {  	_ =	strace $0x90000048  }
0xbc: {  	_ =	sfence  }
0xbd: {  	s30 =	sld [smem:$0x0];
	_ =	sdelay $0x2  }
0xbe: {  	s31 =	sshll.u32 s1, $0xD;
	s1 =	sshrl.u32 s1, $0x2  }
0xbf: {  	s3 =	sand.u32 $0x4000, s31;
	s1 =	sadd.s32 s1, s30  }
0xc0: {  	s0 =	sor.u32 s3, s0;
	s1 =	sshll.u32 s1, $0x11  }
0xc1: {  	s0 =	sor.u32 s1, s0  }
0xc2: {  	s0 =	sadd.s32 $0x8F2B, s0  }
0xc3: {  	[sflag:s0] =	ssyncadd.remote.s32 $0x1  }
0xc4: {  	_ =	sfence.sel $0xFFFF  }
0xc5: {  	[dreg:$0x0] =	wrdreg $0xFFFFFFFF;
	(pc) =	sbr.abs _section_cstart, $3  }
0xc6: {  	[dreg:$0x1] =	wrdreg $0xFFFFFFFF  }
0xc7: {  	_ =	task.clear_ibuf [dreg:s7], $0x2FFFF;
	_ =	strace $0x9FFFFFFF  }
0xc8: {  	(tm) =	ssettm $0x7FFFFFFF  }
0xc9: {  	_ =	shalt  }
tec
execute0_lowered:
.L_overlay_start_1:
0x0: {  	(tag) =	ssettag $0x1  }
0x1: {  	s1 =	srdreg.scid  }
0x2: {  	s0 =	stileid.u32;
	s6 =	sand.u32 $0x1, s1  }
0x3: {  	s5 =	rddreg [dreg:$0x0];
	s30 =	sshll.u32 s0, $0x8;
	s2 =	sshll.u32 s6, $0x7  }
0x4: {  	s8 =	rddreg [dreg:$0x1];
	s9 =	sor.u32 s2, s30  }
0x5: {  	s1 =	rddreg [dreg:$0x2];
	s2 =	simm.s32 $0x0;
	s3 =	sshrl.u32 s9, $0x3  }
0x6: {  	s10 =	ssub.s32 $0x2, s6;
	[smem:$0x7FF] =	sst s2;
	s3 =	sadd.s32 s3, s5  }
0x7: {  	_ =	strace $0x80000047;
	s4 =	sadd.s32 $0x10E00, s3;
	s3 =	simm.s32 $0x2  }
0x8: {  	[tilespmem:s2], [sflag:$0x2] =	stream.linear.gather [hbm4b:s4+s2], $0x80, $0x38;
	[tilespmem:$0x2080] =	vst v63  }
0x9: {  	s7 =	simm.s32 $0x1;
	s11 =	sshrl.u32 s10, $0x1;
	_ =	swait.ge [sflag:s3], $0x80  }
0xa: {  	s6 =	simm.s32 $0x80;
	s10 =	ssub.s32 s10, s11;
	[sflag:s3] =	ssyncset.done $0x0  }
0xb: {  	s5 =	sadd.s32 $0xE00, s5;
	s31 =	smax.u32 s10, $0x1;
	[sflag:s3] =	ssyncadd.s32 $0xFFFFFF80  }
0xc: {  	[tilespmem:s6], [sflag:$0x1] =	stream.indirect.gather [hbm4b:s5+s6], $0x40, s2, s6, $0xb8;
	[tilespmem:$0x2080] =	vst v63  }
0xd: {  	p0 =	sne.s32 s31, $0x1;
	_ =	swait.ge [sflag:s7], $0x2000  }
.Ltmp0:
0xe: {  	s9 =	sshll.u32 s9, $0x3;
	[sflag:s7] =	ssyncset.done $0x0;
	(pc) =	sbr.rel @!p0 .LBB2_2-.Ltmp0, $4  }
0xf: {  	s8 =	sadd.s32 s8, s9;
	[sflag:s7] =	ssyncadd.s32 $0xFFFFE000  }
0x10: {  	[hbm4b:s8+s2] =	stream.linear.scatter [tilespmem:s6], [sflag:$0x2], $0x2000, $0x38;
	[tilespmem:$0x2080] =	vst v63  }
0x11: {  	_ =	swait.ge [sflag:s3], $0x2000  }
0x12: {  	s9 =	sadd.s32 $0xFFFFFFFF, s31;
	[sflag:s3] =	ssyncset.done $0x0  }
.LBB2_1:
0x13: {  	p0 =	sne.s32 s9, $0x1;
	s9 =	sadd.s32 $0xFFFFFFFF, s9;
	[sflag:s3] =	ssyncadd.s32 $0xFFFFE000  }
0x14: {  	[tilespmem:s2], [sflag:$0x2] =	stream.linear.gather [hbm4b:s4+s2], $0x80, $0x38;
	[tilespmem:$0x2080] =	vst v63  }
0x15: {  	_ =	swait.ge [sflag:s3], $0x80  }
0x16: {  	[sflag:s3] =	ssyncset.done $0x0  }
0x17: {  	[sflag:s3] =	ssyncadd.s32 $0xFFFFFF80  }
0x18: {  	[tilespmem:s6], [sflag:$0x1] =	stream.indirect.gather [hbm4b:s5+s6], $0x40, s2, s6, $0xb8;
	[tilespmem:$0x2080] =	vst v63  }
0x19: {  	_ =	swait.ge [sflag:s7], $0x2000  }
.Ltmp1:
0x1a: {  	[sflag:s7] =	ssyncset.done $0x0;
	(pc) =	sbr.rel @p0 .LBB2_1-.Ltmp1, $4  }
0x1b: {  	[sflag:s7] =	ssyncadd.s32 $0xFFFFE000  }
0x1c: {  	[hbm4b:s8+s2] =	stream.linear.scatter [tilespmem:s6], [sflag:$0x2], $0x2000, $0x38;
	[tilespmem:$0x2080] =	vst v63  }
0x1d: {  	_ =	swait.ge [sflag:s3], $0x2000  }
0x1e: {  	[sflag:s3] =	ssyncset.done $0x0  }
.LBB2_2:
0x1f: {  	[sflag:s3] =	ssyncadd.s32 $0xFFFFE000  }
0x20: {  	_ =	sfence.sel $0x180000  }
0x21: {  	[bflag:$0x0] =	sbarrier.arrive $0xFFFF  }
0x22: {  	p0 =	sne.s32 s0, $0x0;
	_ =	strace $0x90000047  }
0x23: {  	s0 =	sadd.s32 @!p0 $0x100000, s1;
	[bflag:$0x2] =	sbarrier.arrive $0xFFFF  }
0x24: {  	[sflag:s0] =	ssyncadd.tile.s32 @!p0 $0x1;
	_ =	shalt  }
.Lfunc_end2:
_tile_overlayer_lowered:
.L_overlay_start_2:
0x25: {  	(tag) =	ssettag $0x2  }
0x26: {  	s0 =	rddreg [dreg:$0x0];
	s2 =	stileid.u32  }
0x27: {  	s1 =	rddreg [dreg:$0x1];
	p0 =	sne.s32 s2, $0x0  }
0x28: {  	s3 =	rddreg [dreg:$0x2];
	[bflag:$0x3] =	sbarrier.arrive $0xFFFF;
	s2 =	simm.s32 @!p0 $0x1C02  }
0x29: {  	[timem:s3], [sflag:s2] =	dma.local @!p0 [hbm:s0], s1  }
0x2a: {  	s0 =	simm.s32 @!p0 $0x2  }
0x2b: {  	_ =	swait.ge @!p0 [sflag:s0], s1  }
0x2c: {  	s1 =	ssub.s32 @!p0 $0x0, s1;
	[sflag:s0] =	ssyncset.done @!p0 $0x0  }
0x2d: {  	[sflag:s0] =	ssyncadd.s32 @!p0 s1  }
0x2e: {  	[bflag:$0x3] =	sbarrier.arrive $0xFFFF  }
0x2f: {  	_ =	shalt  }

</sc_bundles>
